<compile_context>
chip_gen: v7x
topology: tpu7x:2x2x1
jax: 0.10.2.dev20260603
libtpu: 0.0.44.dev20260713+nightly
codegen_flags: <defaults>
</compile_context>

<pallas_src>
import functools

import jax
import jax.numpy as jnp
from jax import lax
from jax.experimental import pallas as pl
from jax.experimental.pallas import tpu as pltpu

EPS = 1e-5
LEAK = 0.01


def _rup(a, b):
    return (a + b - 1) // b * b



def _lstm_body(md_ref, counts_ref, wih_ref, whh_ref, bias_ref, tmx_ref,
               h_ref, c_ref, xbuf_ref, sems, *, ch, nch):
    h_ref[...] = jnp.zeros_like(h_ref)
    c_ref[...] = jnp.zeros_like(c_ref)
    max_deg = md_ref[0]
    counts = counts_ref[...]
    hdim = whh_ref.shape[0]

    def step(carry):
        t, off = carry
        n_t = jnp.sum((counts > t).astype(jnp.int32))
        nact = (n_t + ch - 1) // ch

        def fire(ci, _):
            pltpu.make_async_copy(
                tmx_ref.at[pl.ds(off + ci * ch, ch)],
                xbuf_ref.at[ci], sems.at[ci]).start()
            return 0
        lax.fori_loop(0, nact, fire, 0, unroll=False)

        def common(ci, with_x):
            row0 = pl.multiple_of(ci * ch, ch)
            hc = h_ref[pl.ds(row0, ch), :]
            cc = c_ref[pl.ds(row0, ch), :]
            gates = jnp.dot(hc.astype(jnp.bfloat16), whh_ref[...],
                            preferred_element_type=jnp.float32) + bias_ref[...]
            if with_x:
                pltpu.make_async_copy(
                    tmx_ref.at[pl.ds(off + ci * ch, ch)],
                    xbuf_ref.at[ci], sems.at[ci]).wait()
                nrows = n_t - row0
                rmask = lax.broadcasted_iota(
                    jnp.int32, xbuf_ref.shape[1:], 0) < nrows
                xt = jnp.where(rmask, xbuf_ref[ci], 0.0)
                gates = gates + jnp.dot(xt.astype(jnp.bfloat16), wih_ref[...],
                                        preferred_element_type=jnp.float32)
            i = jax.nn.sigmoid(gates[:, 0:hdim])
            f = jax.nn.sigmoid(gates[:, hdim:2 * hdim])
            g = jnp.tanh(gates[:, 2 * hdim:3 * hdim])
            o = jax.nn.sigmoid(gates[:, 3 * hdim:4 * hdim])
            cc = f * cc + i * g
            h_ref[pl.ds(row0, ch), :] = o * jnp.tanh(cc)
            c_ref[pl.ds(row0, ch), :] = cc
            return 0

        lax.fori_loop(0, nact, lambda ci, _: common(ci, True), 0,
                      unroll=False)
        lax.fori_loop(nact, nch, lambda ci, _: common(ci, False), 0,
                      unroll=False)
        return t + 1, off + n_t

    lax.while_loop(lambda carry: carry[0] < max_deg, step,
                   (jnp.int32(0), jnp.int32(0)))


def _run_lstm(max_deg, counts_sorted_pad, wih_t, whh_t, bias, tmx, *,
              np_, ch, d, h):
    nch = np_ // ch
    body = functools.partial(_lstm_body, ch=ch, nch=nch)
    return pl.pallas_call(
        body,
        grid=(),
        in_specs=[
            pl.BlockSpec(memory_space=pltpu.MemorySpace.SMEM),
            pl.BlockSpec(memory_space=pltpu.MemorySpace.VMEM),
            pl.BlockSpec(memory_space=pltpu.MemorySpace.VMEM),
            pl.BlockSpec(memory_space=pltpu.MemorySpace.VMEM),
            pl.BlockSpec(memory_space=pltpu.MemorySpace.VMEM),
            pl.BlockSpec(memory_space=pltpu.MemorySpace.HBM),
        ],
        out_specs=pl.BlockSpec(memory_space=pltpu.MemorySpace.VMEM),
        out_shape=jax.ShapeDtypeStruct((np_, h), jnp.float32),
        scratch_shapes=[
            pltpu.VMEM((np_, h), jnp.float32),
            pltpu.VMEM((nch, ch, d), jnp.float32),
            pltpu.SemaphoreType.DMA((nch,)),
        ],
    )(max_deg, counts_sorted_pad, wih_t, whh_t, bias, tmx)



def _post_body(aggr_ref, x_ref, batch_ref, wl_ref, wr_ref, bl_ref,
               g1_ref, b1_ref, wd_ref, bd_ref, g2_ref, b2_ref,
               wreg_ref, breg_ref, out_ref, *, n, g):
    hv = (jnp.dot(aggr_ref[...].astype(jnp.bfloat16), wl_ref[...],
                  preferred_element_type=jnp.float32) + bl_ref[...]
          + jnp.dot(x_ref[...].astype(jnp.bfloat16), wr_ref[...],
                    preferred_element_type=jnp.float32))
    mean = jnp.mean(hv, axis=0, keepdims=True)
    var = jnp.mean((hv - mean) ** 2, axis=0, keepdims=True)
    hv = g1_ref[...] * (hv - mean) * jax.lax.rsqrt(var + EPS) + b1_ref[...]
    hv = jnp.where(hv > 0, hv, LEAK * hv)
    seg = lax.broadcasted_iota(jnp.int32, (g, n), 0)
    onehot_t = (seg == batch_ref[...]).astype(jnp.float32)
    sums = jnp.dot(onehot_t, hv, preferred_element_type=jnp.float32,
                   precision=lax.Precision.HIGHEST)
    cnt = jnp.sum(onehot_t, axis=1, keepdims=True)
    pooled = sums / jnp.maximum(cnt, 1.0)
    z = jnp.dot(pooled.astype(jnp.bfloat16), wd_ref[...],
                preferred_element_type=jnp.float32) + bd_ref[...]
    mean2 = jnp.mean(z, axis=0, keepdims=True)
    var2 = jnp.mean((z - mean2) ** 2, axis=0, keepdims=True)
    z = g2_ref[...] * (z - mean2) * jax.lax.rsqrt(var2 + EPS) + b2_ref[...]
    z = jnp.where(z > 0, z, LEAK * z)
    out_ref[...] = (jnp.dot(z.astype(jnp.bfloat16), wreg_ref[...],
                            preferred_element_type=jnp.float32)
                    + breg_ref[...])


def _run_post(aggr, x, batch_row, wl_t, wr_t, bl, g1, b1, wd_t, bd,
              g2, b2, wreg_t, breg, *, n, g):
    body = functools.partial(_post_body, n=n, g=g)
    vmem = pl.BlockSpec(memory_space=pltpu.MemorySpace.VMEM)
    return pl.pallas_call(
        body,
        grid=(),
        in_specs=[vmem] * 14,
        out_specs=vmem,
        out_shape=jax.ShapeDtypeStruct((g, 1), jnp.float32),
    )(aggr, x, batch_row, wl_t, wr_t, bl, g1, b1, wd_t, bd, g2, b2,
      wreg_t, breg)



def kernel(x, edge_index, batch, w_ih, w_hh, b_ih, b_hh, w_l, b_l, w_r,
           bn1_g, bn1_b, w_d, b_d, bn2_g, bn2_b, w_reg, b_reg):
    n, d = x.shape
    e = edge_index.shape[1]
    h = w_hh.shape[1]
    g = 64

    ch = min(512, _rup(n, 8))
    np_ = _rup(n, ch)
    b_tm = _rup(e + ch, 4096)

    src = edge_index[0].astype(jnp.int32)
    dst = edge_index[1].astype(jnp.int32)

    counts = jnp.bincount(dst, length=n).astype(jnp.int32)
    max_deg = jnp.max(counts)

    _, order, counts_sorted = lax.sort(
        [-counts, jnp.arange(n, dtype=jnp.int32), counts], num_keys=1)
    rank = jnp.zeros((n,), jnp.int32).at[order].set(
        jnp.arange(n, dtype=jnp.int32))

    m_tot = n + e
    key_m = jnp.concatenate([
        (jnp.arange(n, dtype=jnp.int32) * 2) * n,
        (dst * 2 + 1) * n + src,
    ])
    val_m = jnp.concatenate([rank, src])
    keym_s, valm_s = lax.sort([key_m, val_m], num_keys=1)
    idq = keym_s // n
    is_node = (idq & 1) == 0
    pos = jnp.arange(m_tot, dtype=jnp.int32)
    r_hi = valm_s >> 7
    r_lo = valm_s & 127
    p_hi = lax.cummax(jnp.where(is_node, pos * 128 + r_hi, -1))
    p_lo = lax.cummax(jnp.where(is_node, pos * 128 + r_lo, -1))
    rank_b = ((p_hi & 127) << 7) | (p_lo & 127)
    nodepos_b = lax.cummax(jnp.where(is_node, pos, -1))
    k_arr = pos - nodepos_b - 1

    key3 = jnp.where(is_node, jnp.int32(2**31 - 1), k_arr * np_ + rank_b)
    _, tm_src_full = lax.sort([key3, valm_s], num_keys=1)
    tm_src = jnp.concatenate(
        [tm_src_full[:e], jnp.zeros((b_tm - e,), jnp.int32)])

    tmx = jnp.take(x, tm_src, axis=0)

    counts_pad = jnp.zeros((np_,), jnp.int32).at[:n].set(counts_sorted)
    counts_2d = counts_pad.reshape(1, np_)

    bias = (b_ih + b_hh).reshape(1, 4 * h)
    h_ranked = _run_lstm(
        max_deg.reshape(1).astype(jnp.int32), counts_2d,
        w_ih.T.astype(jnp.bfloat16), w_hh.T.astype(jnp.bfloat16),
        bias, tmx, np_=np_, ch=ch, d=d, h=h)

    aggr = jnp.take(h_ranked, rank, axis=0)

    out = _run_post(
        aggr, x, batch.reshape(1, n).astype(jnp.int32),
        w_l.T.astype(jnp.bfloat16), w_r.T.astype(jnp.bfloat16),
        b_l.reshape(1, h), bn1_g.reshape(1, h),
        bn1_b.reshape(1, h), w_d.T.astype(jnp.bfloat16), b_d.reshape(1, -1),
        bn2_g.reshape(1, -1), bn2_b.reshape(1, -1),
        w_reg.T.astype(jnp.bfloat16),
        b_reg.reshape(1, 1), n=n, g=g)
    return out

# --- scband reference (transcript-rebuilt; emitter-appended) ---
"""Pipeline reference for scband-gnn-sageconv-lstm-39410619908364 (READ-ONLY COPY).

The authoritative reference and input builder live on the scoring server;
editing this copy changes nothing except your own understanding.
"""

import jax, jax.numpy as jnp
import numpy as np

EPS = 1e-5

def _batch_norm(x, gamma, beta):
    mean = jnp.mean(x, axis=0, keepdims=True)
    var = jnp.var(x, axis=0, keepdims=True)
    return gamma * (x - mean) / jnp.sqrt(var + EPS) + beta

def _lstm_last(x, src_s, starts, counts, max_deg, w_ih, w_hh, b_ih, b_hh):
    n = counts.shape[0]
    h_dim = w_hh.shape[1]
    e = src_s.shape[0]
    def cond_fn(carry):
        t, h, c = carry
        return t < max_deg
    def body_fn(carry):
        t, h, c = carry
        idx = jnp.clip(starts + t, 0, e - 1)
        valid = (t < counts)[:, None]
        xt = jnp.where(valid, x[src_s[idx]], jnp.zeros((), x.dtype))
        gates = xt @ w_ih.T + b_ih + h @ w_hh.T + b_hh
        i, f, g, o = jnp.split(gates, 4, axis=-1)
        i = jax.nn.sigmoid(i)
        f = jax.nn.sigmoid(f)
        g = jnp.tanh(g)
        o = jax.nn.sigmoid(o)
        c = f * c + i * g
        h = o * jnp.tanh(c)
        return (t + 1, h, c)
    init = (jnp.zeros((), counts.dtype), jnp.zeros((n, h_dim), x.dtype), jnp.zeros((n, h_dim), x.dtype))
    _, h, _ = jax.lax.while_loop(cond_fn, body_fn, init)
    return h

def setup_inputs(seed: int = 0):
    key = jax.random.key(seed)
    ks = jax.random.split(key, 18)
    N, E, D, H, DD, G = 10000, 160000, 128, 128, 64, 64
    inp = {}
    inp["x"] = jax.random.normal(ks[0], (N, D), dtype=jnp.float32)
    inp["edge_index"] = jax.random.randint(ks[1], (2, E), 0, N, dtype=jnp.int32)
    inp["batch"] = jnp.sort(jax.random.randint(ks[2], (N,), 0, G, dtype=jnp.int32))
    inp["w_ih"] = jax.random.normal(ks[3], (4 * H, D), dtype=jnp.float32) * 0.05
    inp["w_hh"] = jax.random.normal(ks[4], (4 * H, H), dtype=jnp.float32) * 0.05
    inp["b_ih"] = jnp.zeros((4 * H,), jnp.float32)
    inp["b_hh"] = jnp.zeros((4 * H,), jnp.float32)
    inp["w_l"] = jax.random.normal(ks[5], (H, H), dtype=jnp.float32) * 0.05
    inp["b_l"] = jnp.zeros((H,), jnp.float32)
    inp["w_r"] = jax.random.normal(ks[6], (H, D), dtype=jnp.float32) * 0.05
    inp["bn1_g"] = jnp.ones((H,), jnp.float32)
    inp["bn1_b"] = jnp.zeros((H,), jnp.float32)
    inp["w_d"] = jax.random.normal(ks[7], (DD, H), dtype=jnp.float32) * 0.05
    inp["b_d"] = jnp.zeros((DD,), jnp.float32)
    inp["bn2_g"] = jnp.ones((DD,), jnp.float32)
    inp["bn2_b"] = jnp.zeros((DD,), jnp.float32)
    inp["w_reg"] = jax.random.normal(ks[8], (1, DD), dtype=jnp.float32) * 0.05
    inp["b_reg"] = jnp.zeros((1,), jnp.float32)
    return inp

def reference(x, edge_index, batch, w_ih, w_hh, b_ih, b_hh, w_l, b_l, w_r, bn1_g, bn1_b, w_d, b_d, bn2_g, bn2_b, w_reg, b_reg):
    n = x.shape[0]
    src = edge_index[0]
    dst = edge_index[1]
    # sort_edge_index(sort_by_row=False): lexicographic by (dst, src)
    perm = jnp.argsort(dst.astype(jnp.int64) * n + src.astype(jnp.int64))
    src_s = src[perm]
    dst_s = dst[perm]
    counts = jnp.bincount(dst_s, length=n)
    starts = jnp.concatenate([jnp.zeros((1,), counts.dtype), jnp.cumsum(counts)[:-1]])
    max_deg = counts.max()
    # SAGEConv with LSTMAggregation: zero-padded per-node sequences of length
    # max_deg fed to the LSTM, take last step output
    aggr = _lstm_last(x, src_s, starts, counts, max_deg, w_ih, w_hh, b_ih, b_hh)
    h = aggr @ w_l.T + b_l + x @ w_r.T
    h = _batch_norm(h, bn1_g, bn1_b)
    h = jax.nn.leaky_relu(h, 0.01)  # dropout p=0.0 / eval -> identity
    g = 64
    sums = jax.ops.segment_sum(h, batch, num_segments=g)
    cnt = jax.ops.segment_sum(jnp.ones((n,), h.dtype), batch, num_segments=g)
    pooled = sums / jnp.clip(cnt, 1.0)[:, None]
    z = pooled @ w_d.T + b_d
    z = _batch_norm(z, bn2_g, bn2_b)
    z = jax.nn.leaky_relu(z, 0.01)
    out = z @ w_reg.T + b_reg
    return out

if __name__ == "__main__":
    import jax
    _d = setup_inputs()
    print(jax.jit(kernel)(*tuple(_d.values())))

</pallas_src>

<mosaic_0001>
module attributes {stable_mosaic.version = 14 : i64} {
  func.func @_lstm_body(%arg0: memref<1xi32, #tpu.memory_space<smem>>, %arg1: memref<1x10240xi32, #tpu.memory_space<vmem>>, %arg2: memref<128x512xbf16, #tpu.memory_space<vmem>>, %arg3: memref<128x512xbf16, #tpu.memory_space<vmem>>, %arg4: memref<1x512xf32, #tpu.memory_space<vmem>>, %arg5: memref<163840x128xf32, #tpu.memory_space<hbm>>, %arg6: memref<10240x128xf32, #tpu.memory_space<vmem>>, %arg7: memref<10240x128xf32, #tpu.memory_space<vmem>>, %arg8: memref<20x512x128xf32, #tpu.memory_space<vmem>>, %arg9: memref<20x!tpu.dma_semaphore, #tpu.memory_space<semaphore_mem>>) attributes {dimension_semantics = [], scalar_prefetch = 0 : i64, scratch_operands = 3 : i64, tpu.core_type = #tpu.core_type<tc>} {
    %broadcast_in_dim3A = arith.constant 0.000000e+00 : f32
    %broadcast_in_dim3A_0 = vector.broadcast %broadcast_in_dim3A : f32 to vector<10240x128xf32>
    %swap3A = arith.constant 0 : index
    %swap3A_1 = arith.constant 0 : index
    %swap3A_2 = vector.load %arg6[%swap3A, %swap3A_1] : memref<10240x128xf32, #tpu.memory_space<vmem>>, vector<10240x128xf32>
    tpu.vector_store %arg6[%swap3A, %swap3A_1], %broadcast_in_dim3A_0 {strides = array<i32>} : memref<10240x128xf32, #tpu.memory_space<vmem>>, vector<10240x128xf32>,
    %broadcast_in_dim3A_3 = arith.constant 0.000000e+00 : f32
    %broadcast_in_dim3A_4 = vector.broadcast %broadcast_in_dim3A_3 : f32 to vector<10240x128xf32>
    %swap3A_5 = arith.constant 0 : index
    %swap3A_6 = arith.constant 0 : index
    %swap3A_7 = vector.load %arg7[%swap3A_5, %swap3A_6] : memref<10240x128xf32, #tpu.memory_space<vmem>>, vector<10240x128xf32>
    tpu.vector_store %arg7[%swap3A_5, %swap3A_6], %broadcast_in_dim3A_4 {strides = array<i32>} : memref<10240x128xf32, #tpu.memory_space<vmem>>, vector<10240x128xf32>,
    %get3A = arith.constant 0 : index
    %get3A_8 = memref.load %arg0[%get3A] : memref<1xi32, #tpu.memory_space<smem>>
    %get3A_9 = arith.constant 0 : index
    %get3A_10 = arith.constant 0 : index
    %get3A_11 = vector.load %arg1[%get3A_9, %get3A_10] : memref<1x10240xi32, #tpu.memory_space<vmem>>, vector<1x10240xi32>
    %while3A = arith.constant 0 : i32
    %while3A_12 = arith.constant 0 : i32
    %while3A_13:2 = scf.while (%while3A_14 = %while3A, %while3A_15 = %while3A_12) : (i32, i32) -> (i32, i32) {
      %lt3A = arith.cmpi slt, %while3A_14, %get3A_8 : i32
      scf.condition(%lt3A) %while3A_14, %while3A_15 : i32, i32
    } do {
    ^bb0(%while3A_14: i32, %while3A_15: i32):
      %gt3A = vector.broadcast %while3A_14 : i32 to vector<1x10240xi32>
      %gt3A_16 = arith.cmpi sgt, %get3A_11, %gt3A : vector<1x10240xi32>
      %convert_element_type3A = arith.extui %gt3A_16 : vector<1x10240xi1> to vector<1x10240xi32>
      %reduce_sum3A = vector.shape_cast %convert_element_type3A : vector<1x10240xi32> to vector<1x1x10240xi32>
      %reduce_sum3A_17 = arith.constant dense<0> : vector<1xi32>
      %reduce_sum3A_18 = vector.multi_reduction <add>, %reduce_sum3A, %reduce_sum3A_17 [1, 2] : vector<1x1x10240xi32> to vector<1xi32>
      %reduce_sum3A_19 = vector.shape_cast %reduce_sum3A_18 : vector<1xi32> to vector<1x1x1xi32>
      %reduce_sum3A_20 = vector.extract %reduce_sum3A_19[0, 0, 0] : i32 from vector<1x1x1xi32>
      %add3A = arith.constant 512 : i32
      %add3A_21 = arith.addi %reduce_sum3A_20, %add3A : i32
      %sub3A = arith.constant 1 : i32
      %sub3A_22 = arith.subi %add3A_21, %sub3A : i32
      %jit3A = arith.constant 512 : i32
      %div3A = arith.divsi %sub3A_22, %jit3A : i32
      %sign3A = arith.constant 0 : i32
      %sign3A_23 = arith.cmpi sgt, %sub3A_22, %sign3A : i32
      %sign3A_24 = arith.extui %sign3A_23 : i1 to i32
      %sign3A_25 = arith.constant 0 : i32
      %sign3A_26 = arith.cmpi slt, %sub3A_22, %sign3A_25 : i32
      %sign3A_27 = arith.extui %sign3A_26 : i1 to i32
      %sign3A_28 = arith.subi %sign3A_24, %sign3A_27 : i32
      %sign3A_29 = arith.constant 0 : i32
      %sign3A_30 = arith.cmpi sgt, %jit3A, %sign3A_29 : i32
      %sign3A_31 = arith.extui %sign3A_30 : i1 to i32
      %sign3A_32 = arith.constant 0 : i32
      %sign3A_33 = arith.cmpi slt, %jit3A, %sign3A_32 : i32
      %sign3A_34 = arith.extui %sign3A_33 : i1 to i32
      %sign3A_35 = arith.subi %sign3A_31, %sign3A_34 : i32
      %ne3A = arith.cmpi ne, %sign3A_28, %sign3A_35 : i32
      %rem3A = arith.remsi %sub3A_22, %jit3A : i32
      %ne3A_36 = arith.constant 0 : i32
      %ne3A_37 = arith.cmpi ne, %rem3A, %ne3A_36 : i32
      %and3A = arith.andi %ne3A, %ne3A_37 : i1
      %sub3A_38 = arith.constant 1 : i32
      %sub3A_39 = arith.subi %div3A, %sub3A_38 : i32
      %select_n3A = arith.select %and3A, %sub3A_39, %div3A : i32
      %while3A_40 = arith.constant 0 : i32
      %while3A_41 = arith.constant 0 : i32
      %while3A_42 = arith.subi %select_n3A, %while3A_40 : i32
      %while3A_43 = arith.addi %while3A_40, %while3A_42 : i32
      %while3A_44 = arith.constant 1 : i32
      %while3A_45 = arith.divsi %while3A_42, %while3A_44 : i32
      %while3A_46 = arith.muli %while3A_45, %while3A_44 : i32
      %while3A_47 = arith.addi %while3A_40, %while3A_46 : i32
      %while3A_48 = arith.constant 1 : i32
      %while3A_49 = scf.for %while3A_79 = %while3A_40 to %while3A_47 step %while3A_48 iter_args(%while3A_80 = %while3A_41) -> (i32)  : i32 {
        %mul3A = arith.constant 512 : i32
        %mul3A_81 = arith.muli %while3A_79, %mul3A : i32
        %add3A_82 = arith.addi %while3A_15, %mul3A_81 : i32
        %dma_start3A = tpu.memref_slice %arg9[%while3A_79] : memref<20x!tpu.dma_semaphore, #tpu.memory_space<semaphore_mem>> -> memref<1x!tpu.dma_semaphore, #tpu.memory_space<semaphore_mem>>
        %dma_start3A_83 = tpu.memref_squeeze %dma_start3A : memref<1x!tpu.dma_semaphore, #tpu.memory_space<semaphore_mem>> -> memref<!tpu.dma_semaphore, #tpu.memory_space<semaphore_mem>>
        %dma_start3A_84 = arith.constant 0 : i32
        %dma_start3A_85 = arith.constant 0 : i32
        %dma_start3A_86 = tpu.memref_slice %arg8[%while3A_79, %dma_start3A_84, %dma_start3A_85] : memref<20x512x128xf32, #tpu.memory_space<vmem>> -> memref<1x512x128xf32, #tpu.memory_space<vmem>>
        %dma_start3A_87 = tpu.memref_squeeze %dma_start3A_86 : memref<1x512x128xf32, #tpu.memory_space<vmem>> -> memref<512x128xf32, #tpu.memory_space<vmem>>
        %dma_start3A_88 = arith.constant 0 : i32
        %dma_start3A_89 = tpu.memref_slice %arg5[%add3A_82, %dma_start3A_88] : memref<163840x128xf32, #tpu.memory_space<hbm>> -> memref<512x128xf32, #tpu.memory_space<hbm>>
        tpu.enqueue_dma source(%dma_start3A_89 : memref<512x128xf32, #tpu.memory_space<hbm>>) target(%dma_start3A_87 : memref<512x128xf32, #tpu.memory_space<vmem>>) target_semaphore(%dma_start3A_83 : memref<!tpu.dma_semaphore, #tpu.memory_space<semaphore_mem>>)
        %while3A_90 = arith.constant 0 : i32
        scf.yield %while3A_90 : i32
      }
      %while3A_50 = arith.constant 1 : i32
      %while3A_51 = scf.for %while3A_79 = %while3A_47 to %while3A_43 step %while3A_50 iter_args(%while3A_80 = %while3A_49) -> (i32)  : i32 {
        %mul3A = arith.constant 512 : i32
        %mul3A_81 = arith.muli %while3A_79, %mul3A : i32
        %add3A_82 = arith.addi %while3A_15, %mul3A_81 : i32
        %dma_start3A = tpu.memref_slice %arg9[%while3A_79] : memref<20x!tpu.dma_semaphore, #tpu.memory_space<semaphore_mem>> -> memref<1x!tpu.dma_semaphore, #tpu.memory_space<semaphore_mem>>
        %dma_start3A_83 = tpu.memref_squeeze %dma_start3A : memref<1x!tpu.dma_semaphore, #tpu.memory_space<semaphore_mem>> -> memref<!tpu.dma_semaphore, #tpu.memory_space<semaphore_mem>>
        %dma_start3A_84 = arith.constant 0 : i32
        %dma_start3A_85 = arith.constant 0 : i32
        %dma_start3A_86 = tpu.memref_slice %arg8[%while3A_79, %dma_start3A_84, %dma_start3A_85] : memref<20x512x128xf32, #tpu.memory_space<vmem>> -> memref<1x512x128xf32, #tpu.memory_space<vmem>>
        %dma_start3A_87 = tpu.memref_squeeze %dma_start3A_86 : memref<1x512x128xf32, #tpu.memory_space<vmem>> -> memref<512x128xf32, #tpu.memory_space<vmem>>
        %dma_start3A_88 = arith.constant 0 : i32
        %dma_start3A_89 = tpu.memref_slice %arg5[%add3A_82, %dma_start3A_88] : memref<163840x128xf32, #tpu.memory_space<hbm>> -> memref<512x128xf32, #tpu.memory_space<hbm>>
        tpu.enqueue_dma source(%dma_start3A_89 : memref<512x128xf32, #tpu.memory_space<hbm>>) target(%dma_start3A_87 : memref<512x128xf32, #tpu.memory_space<vmem>>) target_semaphore(%dma_start3A_83 : memref<!tpu.dma_semaphore, #tpu.memory_space<semaphore_mem>>)
        %while3A_90 = arith.constant 0 : i32
        scf.yield %while3A_90 : i32
      }
      %while3A_52 = arith.constant 0 : i32
      %while3A_53 = arith.constant 0 : i32
      %while3A_54 = arith.subi %select_n3A, %while3A_52 : i32
      %while3A_55 = arith.addi %while3A_52, %while3A_54 : i32
      %while3A_56 = arith.constant 1 : i32
      %while3A_57 = arith.divsi %while3A_54, %while3A_56 : i32
      %while3A_58 = arith.muli %while3A_57, %while3A_56 : i32
      %while3A_59 = arith.addi %while3A_52, %while3A_58 : i32
      %while3A_60 = arith.constant 1 : i32
      %while3A_61 = scf.for %while3A_79 = %while3A_52 to %while3A_59 step %while3A_60 iter_args(%while3A_80 = %while3A_53) -> (i32)  : i32 {
        %mul3A = arith.constant 512 : i32
        %mul3A_81 = arith.muli %while3A_79, %mul3A : i32
        %multiple_of3A = tpu.assume_multiple %mul3A_81, 512 : i32
        %get3A_82 = arith.index_cast %multiple_of3A : i32 to index
        %get3A_83 = arith.constant 0 : index
        %get3A_84 = vector.load %arg6[%get3A_82, %get3A_83] : memref<10240x128xf32, #tpu.memory_space<vmem>>, vector<512x128xf32>
        %get3A_85 = arith.index_cast %multiple_of3A : i32 to index
        %get3A_86 = arith.constant 0 : index
        %get3A_87 = vector.load %arg7[%get3A_85, %get3A_86] : memref<10240x128xf32, #tpu.memory_space<vmem>>, vector<512x128xf32>
        %convert_element_type3A_88 = arith.truncf %get3A_84 : vector<512x128xf32> to vector<512x128xbf16>
        %get3A_89 = arith.constant 0 : index
        %get3A_90 = arith.constant 0 : index
        %get3A_91 = vector.load %arg3[%get3A_89, %get3A_90] : memref<128x512xbf16, #tpu.memory_space<vmem>>, vector<128x512xbf16>
        %dot_general3A = arith.constant dense<0.000000e+00> : vector<512x512xf32>
        %dot_general3A_92 = tpu.matmul %convert_element_type3A_88, %get3A_91, %dot_general3A {dimension_numbers = #tpu.dot_dimension_numbers<[1], [0], [0], [1], [0, 0, 1, 1], [], []>, transpose_lhs_hint = false} : vector<512x128xbf16>, vector<128x512xbf16>, vector<512x512xf32> -> vector<512x512xf32>
        %get3A_93 = arith.constant 0 : index
        %get3A_94 = arith.constant 0 : index
        %get3A_95 = vector.load %arg4[%get3A_93, %get3A_94] : memref<1x512xf32, #tpu.memory_space<vmem>>, vector<1x512xf32>
        %add3A_96 = vector.broadcast %get3A_95 : vector<1x512xf32> to vector<512x512xf32>
        %add3A_97 = arith.addf %dot_general3A_92, %add3A_96 : vector<512x512xf32>
        %mul3A_98 = arith.constant 512 : i32
        %mul3A_99 = arith.muli %while3A_79, %mul3A_98 : i32
        %add3A_100 = arith.addi %while3A_15, %mul3A_99 : i32
        %dma_wait3A = tpu.memref_slice %arg9[%while3A_79] : memref<20x!tpu.dma_semaphore, #tpu.memory_space<semaphore_mem>> -> memref<1x!tpu.dma_semaphore, #tpu.memory_space<semaphore_mem>>
        %dma_wait3A_101 = tpu.memref_squeeze %dma_wait3A : memref<1x!tpu.dma_semaphore, #tpu.memory_space<semaphore_mem>> -> memref<!tpu.dma_semaphore, #tpu.memory_space<semaphore_mem>>
        %dma_wait3A_102 = arith.constant 0 : i32
        %dma_wait3A_103 = arith.constant 0 : i32
        %dma_wait3A_104 = tpu.memref_slice %arg8[%while3A_79, %dma_wait3A_102, %dma_wait3A_103] : memref<20x512x128xf32, #tpu.memory_space<vmem>> -> memref<1x512x128xf32, #tpu.memory_space<vmem>>
        %dma_wait3A_105 = tpu.memref_squeeze %dma_wait3A_104 : memref<1x512x128xf32, #tpu.memory_space<vmem>> -> memref<512x128xf32, #tpu.memory_space<vmem>>
        %dma_wait3A_106 = arith.constant 0 : i32
        %dma_wait3A_107 = tpu.memref_slice %arg5[%add3A_100, %dma_wait3A_106] : memref<163840x128xf32, #tpu.memory_space<hbm>> -> memref<512x128xf32, #tpu.memory_space<hbm>>
        tpu.wait_dma2 semaphore(%dma_wait3A_101 : memref<!tpu.dma_semaphore, #tpu.memory_space<semaphore_mem>>) src(%dma_wait3A_107 : memref<512x128xf32, #tpu.memory_space<hbm>>) dst(%dma_wait3A_105 : memref<512x128xf32, #tpu.memory_space<vmem>>)
        %sub3A_108 = arith.subi %reduce_sum3A_20, %multiple_of3A : i32
        %iota3A = tpu.iota {dimensions = array<i32: 0>} : vector<512x128xi32>
        %lt3A = vector.broadcast %sub3A_108 : i32 to vector<512x128xi32>
        %lt3A_109 = arith.cmpi slt, %iota3A, %lt3A : vector<512x128xi32>
        %get3A_110 = arith.index_cast %while3A_79 : i32 to index
        %get3A_111 = arith.constant 0 : index
        %get3A_112 = arith.constant 0 : index
        %get3A_113 = vector.load %arg8[%get3A_110, %get3A_111, %get3A_112] : memref<20x512x128xf32, #tpu.memory_space<vmem>>, vector<1x512x128xf32>
        %get3A_114 = vector.shape_cast %get3A_113 : vector<1x512x128xf32> to vector<512x128xf32>
        %jit3A_115 = arith.constant 0.000000e+00 : f32
        %broadcast_in_dim3A_116 = vector.broadcast %jit3A_115 : f32 to vector<512x128xf32>
        %select_n3A_117 = arith.select %lt3A_109, %get3A_114, %broadcast_in_dim3A_116 : vector<512x128xi1>, vector<512x128xf32>
        %convert_element_type3A_118 = arith.truncf %select_n3A_117 : vector<512x128xf32> to vector<512x128xbf16>
        %get3A_119 = arith.constant 0 : index
        %get3A_120 = arith.constant 0 : index
        %get3A_121 = vector.load %arg2[%get3A_119, %get3A_120] : memref<128x512xbf16, #tpu.memory_space<vmem>>, vector<128x512xbf16>
        %dot_general3A_122 = arith.constant dense<0.000000e+00> : vector<512x512xf32>
        %dot_general3A_123 = tpu.matmul %convert_element_type3A_118, %get3A_121, %dot_general3A_122 {dimension_numbers = #tpu.dot_dimension_numbers<[1], [0], [0], [1], [0, 0, 1, 1], [], []>, transpose_lhs_hint = false} : vector<512x128xbf16>, vector<128x512xbf16>, vector<512x512xf32> -> vector<512x512xf32>
        %add3A_124 = arith.addf %add3A_97, %dot_general3A_123 : vector<512x512xf32>
        %slice3A = vector.extract_strided_slice %add3A_124 {offsets = [0, 0], sizes = [512, 128], strides = [1, 1]} : vector<512x512xf32> to vector<512x128xf32>
        %logistic3A = arith.negf %slice3A : vector<512x128xf32>
        %logistic3A_125 = math.exp %logistic3A : vector<512x128xf32>
        %logistic3A_126 = arith.constant 1.000000e+00 : f32
        %logistic3A_127 = vector.broadcast %logistic3A_126 : f32 to vector<512x128xf32>
        %logistic3A_128 = arith.addf %logistic3A_127, %logistic3A_125 : vector<512x128xf32>
        %logistic3A_129 = arith.divf %logistic3A_127, %logistic3A_128 : vector<512x128xf32>
        %slice3A_130 = vector.extract_strided_slice %add3A_124 {offsets = [0, 128], sizes = [512, 128], strides = [1, 1]} : vector<512x512xf32> to vector<512x128xf32>
        %logistic3A_131 = arith.negf %slice3A_130 : vector<512x128xf32>
        %logistic3A_132 = math.exp %logistic3A_131 : vector<512x128xf32>
        %logistic3A_133 = arith.constant 1.000000e+00 : f32
        %logistic3A_134 = vector.broadcast %logistic3A_133 : f32 to vector<512x128xf32>
        %logistic3A_135 = arith.addf %logistic3A_134, %logistic3A_132 : vector<512x128xf32>
        %logistic3A_136 = arith.divf %logistic3A_134, %logistic3A_135 : vector<512x128xf32>
        %slice3A_137 = vector.extract_strided_slice %add3A_124 {offsets = [0, 256], sizes = [512, 128], strides = [1, 1]} : vector<512x512xf32> to vector<512x128xf32>
        %tanh3A = math.tanh %slice3A_137 : vector<512x128xf32>
        %slice3A_138 = vector.extract_strided_slice %add3A_124 {offsets = [0, 384], sizes = [512, 128], strides = [1, 1]} : vector<512x512xf32> to vector<512x128xf32>
        %logistic3A_139 = arith.negf %slice3A_138 : vector<512x128xf32>
        %logistic3A_140 = math.exp %logistic3A_139 : vector<512x128xf32>
        %logistic3A_141 = arith.constant 1.000000e+00 : f32
        %logistic3A_142 = vector.broadcast %logistic3A_141 : f32 to vector<512x128xf32>
        %logistic3A_143 = arith.addf %logistic3A_142, %logistic3A_140 : vector<512x128xf32>
        %logistic3A_144 = arith.divf %logistic3A_142, %logistic3A_143 : vector<512x128xf32>
        %mul3A_145 = arith.mulf %logistic3A_136, %get3A_87 : vector<512x128xf32>
        %mul3A_146 = arith.mulf %logistic3A_129, %tanh3A : vector<512x128xf32>
        %add3A_147 = arith.addf %mul3A_145, %mul3A_146 : vector<512x128xf32>
        %tanh3A_148 = math.tanh %add3A_147 : vector<512x128xf32>
        %mul3A_149 = arith.mulf %logistic3A_144, %tanh3A_148 : vector<512x128xf32>
        %swap3A_150 = arith.index_cast %multiple_of3A : i32 to index
        %swap3A_151 = arith.constant 0 : index
        %swap3A_152 = vector.load %arg6[%swap3A_150, %swap3A_151] : memref<10240x128xf32, #tpu.memory_space<vmem>>, vector<512x128xf32>
        tpu.vector_store %arg6[%swap3A_150, %swap3A_151], %mul3A_149 {strides = array<i32>} : memref<10240x128xf32, #tpu.memory_space<vmem>>, vector<512x128xf32>,
        %swap3A_153 = arith.index_cast %multiple_of3A : i32 to index
        %swap3A_154 = arith.constant 0 : index
        %swap3A_155 = vector.load %arg7[%swap3A_153, %swap3A_154] : memref<10240x128xf32, #tpu.memory_space<vmem>>, vector<512x128xf32>
        tpu.vector_store %arg7[%swap3A_153, %swap3A_154], %add3A_147 {strides = array<i32>} : memref<10240x128xf32, #tpu.memory_space<vmem>>, vector<512x128xf32>,
        %while3A_156 = arith.constant 0 : i32
        scf.yield %while3A_156 : i32
      }
      %while3A_62 = arith.constant 1 : i32
      %while3A_63 = scf.for %while3A_79 = %while3A_59 to %while3A_55 step %while3A_62 iter_args(%while3A_80 = %while3A_61) -> (i32)  : i32 {
        %mul3A = arith.constant 512 : i32
        %mul3A_81 = arith.muli %while3A_79, %mul3A : i32
        %multiple_of3A = tpu.assume_multiple %mul3A_81, 512 : i32
        %get3A_82 = arith.index_cast %multiple_of3A : i32 to index
        %get3A_83 = arith.constant 0 : index
        %get3A_84 = vector.load %arg6[%get3A_82, %get3A_83] : memref<10240x128xf32, #tpu.memory_space<vmem>>, vector<512x128xf32>
        %get3A_85 = arith.index_cast %multiple_of3A : i32 to index
        %get3A_86 = arith.constant 0 : index
        %get3A_87 = vector.load %arg7[%get3A_85, %get3A_86] : memref<10240x128xf32, #tpu.memory_space<vmem>>, vector<512x128xf32>
        %convert_element_type3A_88 = arith.truncf %get3A_84 : vector<512x128xf32> to vector<512x128xbf16>
        %get3A_89 = arith.constant 0 : index
        %get3A_90 = arith.constant 0 : index
        %get3A_91 = vector.load %arg3[%get3A_89, %get3A_90] : memref<128x512xbf16, #tpu.memory_space<vmem>>, vector<128x512xbf16>
        %dot_general3A = arith.constant dense<0.000000e+00> : vector<512x512xf32>
        %dot_general3A_92 = tpu.matmul %convert_element_type3A_88, %get3A_91, %dot_general3A {dimension_numbers = #tpu.dot_dimension_numbers<[1], [0], [0], [1], [0, 0, 1, 1], [], []>, transpose_lhs_hint = false} : vector<512x128xbf16>, vector<128x512xbf16>, vector<512x512xf32> -> vector<512x512xf32>
        %get3A_93 = arith.constant 0 : index
        %get3A_94 = arith.constant 0 : index
        %get3A_95 = vector.load %arg4[%get3A_93, %get3A_94] : memref<1x512xf32, #tpu.memory_space<vmem>>, vector<1x512xf32>
        %add3A_96 = vector.broadcast %get3A_95 : vector<1x512xf32> to vector<512x512xf32>
        %add3A_97 = arith.addf %dot_general3A_92, %add3A_96 : vector<512x512xf32>
        %mul3A_98 = arith.constant 512 : i32
        %mul3A_99 = arith.muli %while3A_79, %mul3A_98 : i32
        %add3A_100 = arith.addi %while3A_15, %mul3A_99 : i32
        %dma_wait3A = tpu.memref_slice %arg9[%while3A_79] : memref<20x!tpu.dma_semaphore, #tpu.memory_space<semaphore_mem>> -> memref<1x!tpu.dma_semaphore, #tpu.memory_space<semaphore_mem>>
        %dma_wait3A_101 = tpu.memref_squeeze %dma_wait3A : memref<1x!tpu.dma_semaphore, #tpu.memory_space<semaphore_mem>> -> memref<!tpu.dma_semaphore, #tpu.memory_space<semaphore_mem>>
        %dma_wait3A_102 = arith.constant 0 : i32
        %dma_wait3A_103 = arith.constant 0 : i32
        %dma_wait3A_104 = tpu.memref_slice %arg8[%while3A_79, %dma_wait3A_102, %dma_wait3A_103] : memref<20x512x128xf32, #tpu.memory_space<vmem>> -> memref<1x512x128xf32, #tpu.memory_space<vmem>>
        %dma_wait3A_105 = tpu.memref_squeeze %dma_wait3A_104 : memref<1x512x128xf32, #tpu.memory_space<vmem>> -> memref<512x128xf32, #tpu.memory_space<vmem>>
        %dma_wait3A_106 = arith.constant 0 : i32
        %dma_wait3A_107 = tpu.memref_slice %arg5[%add3A_100, %dma_wait3A_106] : memref<163840x128xf32, #tpu.memory_space<hbm>> -> memref<512x128xf32, #tpu.memory_space<hbm>>
        tpu.wait_dma2 semaphore(%dma_wait3A_101 : memref<!tpu.dma_semaphore, #tpu.memory_space<semaphore_mem>>) src(%dma_wait3A_107 : memref<512x128xf32, #tpu.memory_space<hbm>>) dst(%dma_wait3A_105 : memref<512x128xf32, #tpu.memory_space<vmem>>)
        %sub3A_108 = arith.subi %reduce_sum3A_20, %multiple_of3A : i32
        %iota3A = tpu.iota {dimensions = array<i32: 0>} : vector<512x128xi32>
        %lt3A = vector.broadcast %sub3A_108 : i32 to vector<512x128xi32>
        %lt3A_109 = arith.cmpi slt, %iota3A, %lt3A : vector<512x128xi32>
        %get3A_110 = arith.index_cast %while3A_79 : i32 to index
        %get3A_111 = arith.constant 0 : index
        %get3A_112 = arith.constant 0 : index
        %get3A_113 = vector.load %arg8[%get3A_110, %get3A_111, %get3A_112] : memref<20x512x128xf32, #tpu.memory_space<vmem>>, vector<1x512x128xf32>
        %get3A_114 = vector.shape_cast %get3A_113 : vector<1x512x128xf32> to vector<512x128xf32>
        %jit3A_115 = arith.constant 0.000000e+00 : f32
        %broadcast_in_dim3A_116 = vector.broadcast %jit3A_115 : f32 to vector<512x128xf32>
        %select_n3A_117 = arith.select %lt3A_109, %get3A_114, %broadcast_in_dim3A_116 : vector<512x128xi1>, vector<512x128xf32>
        %convert_element_type3A_118 = arith.truncf %select_n3A_117 : vector<512x128xf32> to vector<512x128xbf16>
        %get3A_119 = arith.constant 0 : index
        %get3A_120 = arith.constant 0 : index
        %get3A_121 = vector.load %arg2[%get3A_119, %get3A_120] : memref<128x512xbf16, #tpu.memory_space<vmem>>, vector<128x512xbf16>
        %dot_general3A_122 = arith.constant dense<0.000000e+00> : vector<512x512xf32>
        %dot_general3A_123 = tpu.matmul %convert_element_type3A_118, %get3A_121, %dot_general3A_122 {dimension_numbers = #tpu.dot_dimension_numbers<[1], [0], [0], [1], [0, 0, 1, 1], [], []>, transpose_lhs_hint = false} : vector<512x128xbf16>, vector<128x512xbf16>, vector<512x512xf32> -> vector<512x512xf32>
        %add3A_124 = arith.addf %add3A_97, %dot_general3A_123 : vector<512x512xf32>
        %slice3A = vector.extract_strided_slice %add3A_124 {offsets = [0, 0], sizes = [512, 128], strides = [1, 1]} : vector<512x512xf32> to vector<512x128xf32>
        %logistic3A = arith.negf %slice3A : vector<512x128xf32>
        %logistic3A_125 = math.exp %logistic3A : vector<512x128xf32>
        %logistic3A_126 = arith.constant 1.000000e+00 : f32
        %logistic3A_127 = vector.broadcast %logistic3A_126 : f32 to vector<512x128xf32>
        %logistic3A_128 = arith.addf %logistic3A_127, %logistic3A_125 : vector<512x128xf32>
        %logistic3A_129 = arith.divf %logistic3A_127, %logistic3A_128 : vector<512x128xf32>
        %slice3A_130 = vector.extract_strided_slice %add3A_124 {offsets = [0, 128], sizes = [512, 128], strides = [1, 1]} : vector<512x512xf32> to vector<512x128xf32>
        %logistic3A_131 = arith.negf %slice3A_130 : vector<512x128xf32>
        %logistic3A_132 = math.exp %logistic3A_131 : vector<512x128xf32>
        %logistic3A_133 = arith.constant 1.000000e+00 : f32
        %logistic3A_134 = vector.broadcast %logistic3A_133 : f32 to vector<512x128xf32>
        %logistic3A_135 = arith.addf %logistic3A_134, %logistic3A_132 : vector<512x128xf32>
        %logistic3A_136 = arith.divf %logistic3A_134, %logistic3A_135 : vector<512x128xf32>
        %slice3A_137 = vector.extract_strided_slice %add3A_124 {offsets = [0, 256], sizes = [512, 128], strides = [1, 1]} : vector<512x512xf32> to vector<512x128xf32>
        %tanh3A = math.tanh %slice3A_137 : vector<512x128xf32>
        %slice3A_138 = vector.extract_strided_slice %add3A_124 {offsets = [0, 384], sizes = [512, 128], strides = [1, 1]} : vector<512x512xf32> to vector<512x128xf32>
        %logistic3A_139 = arith.negf %slice3A_138 : vector<512x128xf32>
        %logistic3A_140 = math.exp %logistic3A_139 : vector<512x128xf32>
        %logistic3A_141 = arith.constant 1.000000e+00 : f32
        %logistic3A_142 = vector.broadcast %logistic3A_141 : f32 to vector<512x128xf32>
        %logistic3A_143 = arith.addf %logistic3A_142, %logistic3A_140 : vector<512x128xf32>
        %logistic3A_144 = arith.divf %logistic3A_142, %logistic3A_143 : vector<512x128xf32>
        %mul3A_145 = arith.mulf %logistic3A_136, %get3A_87 : vector<512x128xf32>
        %mul3A_146 = arith.mulf %logistic3A_129, %tanh3A : vector<512x128xf32>
        %add3A_147 = arith.addf %mul3A_145, %mul3A_146 : vector<512x128xf32>
        %tanh3A_148 = math.tanh %add3A_147 : vector<512x128xf32>
        %mul3A_149 = arith.mulf %logistic3A_144, %tanh3A_148 : vector<512x128xf32>
        %swap3A_150 = arith.index_cast %multiple_of3A : i32 to index
        %swap3A_151 = arith.constant 0 : index
        %swap3A_152 = vector.load %arg6[%swap3A_150, %swap3A_151] : memref<10240x128xf32, #tpu.memory_space<vmem>>, vector<512x128xf32>
        tpu.vector_store %arg6[%swap3A_150, %swap3A_151], %mul3A_149 {strides = array<i32>} : memref<10240x128xf32, #tpu.memory_space<vmem>>, vector<512x128xf32>,
        %swap3A_153 = arith.index_cast %multiple_of3A : i32 to index
        %swap3A_154 = arith.constant 0 : index
        %swap3A_155 = vector.load %arg7[%swap3A_153, %swap3A_154] : memref<10240x128xf32, #tpu.memory_space<vmem>>, vector<512x128xf32>
        tpu.vector_store %arg7[%swap3A_153, %swap3A_154], %add3A_147 {strides = array<i32>} : memref<10240x128xf32, #tpu.memory_space<vmem>>, vector<512x128xf32>,
        %while3A_156 = arith.constant 0 : i32
        scf.yield %while3A_156 : i32
      }
      %while3A_64 = arith.constant 20 : i32
      %while3A_65 = arith.constant 0 : i32
      %while3A_66 = arith.subi %while3A_64, %select_n3A : i32
      %while3A_67 = arith.addi %select_n3A, %while3A_66 : i32
      %while3A_68 = arith.constant 1 : i32
      %while3A_69 = arith.divsi %while3A_66, %while3A_68 : i32
      %while3A_70 = arith.muli %while3A_69, %while3A_68 : i32
      %while3A_71 = arith.addi %select_n3A, %while3A_70 : i32
      %while3A_72 = arith.constant 1 : i32
      %while3A_73 = scf.for %while3A_79 = %select_n3A to %while3A_71 step %while3A_72 iter_args(%while3A_80 = %while3A_65) -> (i32)  : i32 {
        %mul3A = arith.constant 512 : i32
        %mul3A_81 = arith.muli %while3A_79, %mul3A : i32
        %multiple_of3A = tpu.assume_multiple %mul3A_81, 512 : i32
        %get3A_82 = arith.index_cast %multiple_of3A : i32 to index
        %get3A_83 = arith.constant 0 : index
        %get3A_84 = vector.load %arg6[%get3A_82, %get3A_83] : memref<10240x128xf32, #tpu.memory_space<vmem>>, vector<512x128xf32>
        %get3A_85 = arith.index_cast %multiple_of3A : i32 to index
        %get3A_86 = arith.constant 0 : index
        %get3A_87 = vector.load %arg7[%get3A_85, %get3A_86] : memref<10240x128xf32, #tpu.memory_space<vmem>>, vector<512x128xf32>
        %convert_element_type3A_88 = arith.truncf %get3A_84 : vector<512x128xf32> to vector<512x128xbf16>
        %get3A_89 = arith.constant 0 : index
        %get3A_90 = arith.constant 0 : index
        %get3A_91 = vector.load %arg3[%get3A_89, %get3A_90] : memref<128x512xbf16, #tpu.memory_space<vmem>>, vector<128x512xbf16>
        %dot_general3A = arith.constant dense<0.000000e+00> : vector<512x512xf32>
        %dot_general3A_92 = tpu.matmul %convert_element_type3A_88, %get3A_91, %dot_general3A {dimension_numbers = #tpu.dot_dimension_numbers<[1], [0], [0], [1], [0, 0, 1, 1], [], []>, transpose_lhs_hint = false} : vector<512x128xbf16>, vector<128x512xbf16>, vector<512x512xf32> -> vector<512x512xf32>
        %get3A_93 = arith.constant 0 : index
        %get3A_94 = arith.constant 0 : index
        %get3A_95 = vector.load %arg4[%get3A_93, %get3A_94] : memref<1x512xf32, #tpu.memory_space<vmem>>, vector<1x512xf32>
        %add3A_96 = vector.broadcast %get3A_95 : vector<1x512xf32> to vector<512x512xf32>
        %add3A_97 = arith.addf %dot_general3A_92, %add3A_96 : vector<512x512xf32>
        %slice3A = vector.extract_strided_slice %add3A_97 {offsets = [0, 0], sizes = [512, 128], strides = [1, 1]} : vector<512x512xf32> to vector<512x128xf32>
        %logistic3A = arith.negf %slice3A : vector<512x128xf32>
        %logistic3A_98 = math.exp %logistic3A : vector<512x128xf32>
        %logistic3A_99 = arith.constant 1.000000e+00 : f32
        %logistic3A_100 = vector.broadcast %logistic3A_99 : f32 to vector<512x128xf32>
        %logistic3A_101 = arith.addf %logistic3A_100, %logistic3A_98 : vector<512x128xf32>
        %logistic3A_102 = arith.divf %logistic3A_100, %logistic3A_101 : vector<512x128xf32>
        %slice3A_103 = vector.extract_strided_slice %add3A_97 {offsets = [0, 128], sizes = [512, 128], strides = [1, 1]} : vector<512x512xf32> to vector<512x128xf32>
        %logistic3A_104 = arith.negf %slice3A_103 : vector<512x128xf32>
        %logistic3A_105 = math.exp %logistic3A_104 : vector<512x128xf32>
        %logistic3A_106 = arith.constant 1.000000e+00 : f32
        %logistic3A_107 = vector.broadcast %logistic3A_106 : f32 to vector<512x128xf32>
        %logistic3A_108 = arith.addf %logistic3A_107, %logistic3A_105 : vector<512x128xf32>
        %logistic3A_109 = arith.divf %logistic3A_107, %logistic3A_108 : vector<512x128xf32>
        %slice3A_110 = vector.extract_strided_slice %add3A_97 {offsets = [0, 256], sizes = [512, 128], strides = [1, 1]} : vector<512x512xf32> to vector<512x128xf32>
        %tanh3A = math.tanh %slice3A_110 : vector<512x128xf32>
        %slice3A_111 = vector.extract_strided_slice %add3A_97 {offsets = [0, 384], sizes = [512, 128], strides = [1, 1]} : vector<512x512xf32> to vector<512x128xf32>
        %logistic3A_112 = arith.negf %slice3A_111 : vector<512x128xf32>
        %logistic3A_113 = math.exp %logistic3A_112 : vector<512x128xf32>
        %logistic3A_114 = arith.constant 1.000000e+00 : f32
        %logistic3A_115 = vector.broadcast %logistic3A_114 : f32 to vector<512x128xf32>
        %logistic3A_116 = arith.addf %logistic3A_115, %logistic3A_113 : vector<512x128xf32>
        %logistic3A_117 = arith.divf %logistic3A_115, %logistic3A_116 : vector<512x128xf32>
        %mul3A_118 = arith.mulf %logistic3A_109, %get3A_87 : vector<512x128xf32>
        %mul3A_119 = arith.mulf %logistic3A_102, %tanh3A : vector<512x128xf32>
        %add3A_120 = arith.addf %mul3A_118, %mul3A_119 : vector<512x128xf32>
        %tanh3A_121 = math.tanh %add3A_120 : vector<512x128xf32>
        %mul3A_122 = arith.mulf %logistic3A_117, %tanh3A_121 : vector<512x128xf32>
        %swap3A_123 = arith.index_cast %multiple_of3A : i32 to index
        %swap3A_124 = arith.constant 0 : index
        %swap3A_125 = vector.load %arg6[%swap3A_123, %swap3A_124] : memref<10240x128xf32, #tpu.memory_space<vmem>>, vector<512x128xf32>
        tpu.vector_store %arg6[%swap3A_123, %swap3A_124], %mul3A_122 {strides = array<i32>} : memref<10240x128xf32, #tpu.memory_space<vmem>>, vector<512x128xf32>,
        %swap3A_126 = arith.index_cast %multiple_of3A : i32 to index
        %swap3A_127 = arith.constant 0 : index
        %swap3A_128 = vector.load %arg7[%swap3A_126, %swap3A_127] : memref<10240x128xf32, #tpu.memory_space<vmem>>, vector<512x128xf32>
        tpu.vector_store %arg7[%swap3A_126, %swap3A_127], %add3A_120 {strides = array<i32>} : memref<10240x128xf32, #tpu.memory_space<vmem>>, vector<512x128xf32>,
        %while3A_129 = arith.constant 0 : i32
        scf.yield %while3A_129 : i32
      }
      %while3A_74 = arith.constant 1 : i32
      %while3A_75 = scf.for %while3A_79 = %while3A_71 to %while3A_67 step %while3A_74 iter_args(%while3A_80 = %while3A_73) -> (i32)  : i32 {
        %mul3A = arith.constant 512 : i32
        %mul3A_81 = arith.muli %while3A_79, %mul3A : i32
        %multiple_of3A = tpu.assume_multiple %mul3A_81, 512 : i32
        %get3A_82 = arith.index_cast %multiple_of3A : i32 to index
        %get3A_83 = arith.constant 0 : index
        %get3A_84 = vector.load %arg6[%get3A_82, %get3A_83] : memref<10240x128xf32, #tpu.memory_space<vmem>>, vector<512x128xf32>
        %get3A_85 = arith.index_cast %multiple_of3A : i32 to index
        %get3A_86 = arith.constant 0 : index
        %get3A_87 = vector.load %arg7[%get3A_85, %get3A_86] : memref<10240x128xf32, #tpu.memory_space<vmem>>, vector<512x128xf32>
        %convert_element_type3A_88 = arith.truncf %get3A_84 : vector<512x128xf32> to vector<512x128xbf16>
        %get3A_89 = arith.constant 0 : index
        %get3A_90 = arith.constant 0 : index
        %get3A_91 = vector.load %arg3[%get3A_89, %get3A_90] : memref<128x512xbf16, #tpu.memory_space<vmem>>, vector<128x512xbf16>
        %dot_general3A = arith.constant dense<0.000000e+00> : vector<512x512xf32>
        %dot_general3A_92 = tpu.matmul %convert_element_type3A_88, %get3A_91, %dot_general3A {dimension_numbers = #tpu.dot_dimension_numbers<[1], [0], [0], [1], [0, 0, 1, 1], [], []>, transpose_lhs_hint = false} : vector<512x128xbf16>, vector<128x512xbf16>, vector<512x512xf32> -> vector<512x512xf32>
        %get3A_93 = arith.constant 0 : index
        %get3A_94 = arith.constant 0 : index
        %get3A_95 = vector.load %arg4[%get3A_93, %get3A_94] : memref<1x512xf32, #tpu.memory_space<vmem>>, vector<1x512xf32>
        %add3A_96 = vector.broadcast %get3A_95 : vector<1x512xf32> to vector<512x512xf32>
        %add3A_97 = arith.addf %dot_general3A_92, %add3A_96 : vector<512x512xf32>
        %slice3A = vector.extract_strided_slice %add3A_97 {offsets = [0, 0], sizes = [512, 128], strides = [1, 1]} : vector<512x512xf32> to vector<512x128xf32>
        %logistic3A = arith.negf %slice3A : vector<512x128xf32>
        %logistic3A_98 = math.exp %logistic3A : vector<512x128xf32>
        %logistic3A_99 = arith.constant 1.000000e+00 : f32
        %logistic3A_100 = vector.broadcast %logistic3A_99 : f32 to vector<512x128xf32>
        %logistic3A_101 = arith.addf %logistic3A_100, %logistic3A_98 : vector<512x128xf32>
        %logistic3A_102 = arith.divf %logistic3A_100, %logistic3A_101 : vector<512x128xf32>
        %slice3A_103 = vector.extract_strided_slice %add3A_97 {offsets = [0, 128], sizes = [512, 128], strides = [1, 1]} : vector<512x512xf32> to vector<512x128xf32>
        %logistic3A_104 = arith.negf %slice3A_103 : vector<512x128xf32>
        %logistic3A_105 = math.exp %logistic3A_104 : vector<512x128xf32>
        %logistic3A_106 = arith.constant 1.000000e+00 : f32
        %logistic3A_107 = vector.broadcast %logistic3A_106 : f32 to vector<512x128xf32>
        %logistic3A_108 = arith.addf %logistic3A_107, %logistic3A_105 : vector<512x128xf32>
        %logistic3A_109 = arith.divf %logistic3A_107, %logistic3A_108 : vector<512x128xf32>
        %slice3A_110 = vector.extract_strided_slice %add3A_97 {offsets = [0, 256], sizes = [512, 128], strides = [1, 1]} : vector<512x512xf32> to vector<512x128xf32>
        %tanh3A = math.tanh %slice3A_110 : vector<512x128xf32>
        %slice3A_111 = vector.extract_strided_slice %add3A_97 {offsets = [0, 384], sizes = [512, 128], strides = [1, 1]} : vector<512x512xf32> to vector<512x128xf32>
        %logistic3A_112 = arith.negf %slice3A_111 : vector<512x128xf32>
        %logistic3A_113 = math.exp %logistic3A_112 : vector<512x128xf32>
        %logistic3A_114 = arith.constant 1.000000e+00 : f32
        %logistic3A_115 = vector.broadcast %logistic3A_114 : f32 to vector<512x128xf32>
        %logistic3A_116 = arith.addf %logistic3A_115, %logistic3A_113 : vector<512x128xf32>
        %logistic3A_117 = arith.divf %logistic3A_115, %logistic3A_116 : vector<512x128xf32>
        %mul3A_118 = arith.mulf %logistic3A_109, %get3A_87 : vector<512x128xf32>
        %mul3A_119 = arith.mulf %logistic3A_102, %tanh3A : vector<512x128xf32>
        %add3A_120 = arith.addf %mul3A_118, %mul3A_119 : vector<512x128xf32>
        %tanh3A_121 = math.tanh %add3A_120 : vector<512x128xf32>
        %mul3A_122 = arith.mulf %logistic3A_117, %tanh3A_121 : vector<512x128xf32>
        %swap3A_123 = arith.index_cast %multiple_of3A : i32 to index
        %swap3A_124 = arith.constant 0 : index
        %swap3A_125 = vector.load %arg6[%swap3A_123, %swap3A_124] : memref<10240x128xf32, #tpu.memory_space<vmem>>, vector<512x128xf32>
        tpu.vector_store %arg6[%swap3A_123, %swap3A_124], %mul3A_122 {strides = array<i32>} : memref<10240x128xf32, #tpu.memory_space<vmem>>, vector<512x128xf32>,
        %swap3A_126 = arith.index_cast %multiple_of3A : i32 to index
        %swap3A_127 = arith.constant 0 : index
        %swap3A_128 = vector.load %arg7[%swap3A_126, %swap3A_127] : memref<10240x128xf32, #tpu.memory_space<vmem>>, vector<512x128xf32>
        tpu.vector_store %arg7[%swap3A_126, %swap3A_127], %add3A_120 {strides = array<i32>} : memref<10240x128xf32, #tpu.memory_space<vmem>>, vector<512x128xf32>,
        %while3A_129 = arith.constant 0 : i32
        scf.yield %while3A_129 : i32
      }
      %add3A_76 = arith.constant 1 : i32
      %add3A_77 = arith.addi %while3A_14, %add3A_76 : i32
      %add3A_78 = arith.addi %while3A_15, %reduce_sum3A_20 : i32
      scf.yield %add3A_77, %add3A_78 : i32, i32
    }
    return
  }
}

module attributes {stable_mosaic.version = 14 : i64} {
  func.func @_post_body(%arg0: memref<10000x128xf32, #tpu.memory_space<vmem>>, %arg1: memref<10000x128xf32, #tpu.memory_space<vmem>>, %arg2: memref<1x10000xi32, #tpu.memory_space<vmem>>, %arg3: memref<128x128xbf16, #tpu.memory_space<vmem>>, %arg4: memref<128x128xbf16, #tpu.memory_space<vmem>>, %arg5: memref<1x128xf32, #tpu.memory_space<vmem>>, %arg6: memref<1x128xf32, #tpu.memory_space<vmem>>, %arg7: memref<1x128xf32, #tpu.memory_space<vmem>>, %arg8: memref<128x64xbf16, #tpu.memory_space<vmem>>, %arg9: memref<1x64xf32, #tpu.memory_space<vmem>>, %arg10: memref<1x64xf32, #tpu.memory_space<vmem>>, %arg11: memref<1x64xf32, #tpu.memory_space<vmem>>, %arg12: memref<64x1xbf16, #tpu.memory_space<vmem>>, %arg13: memref<1x1xf32, #tpu.memory_space<vmem>>, %arg14: memref<64x1xf32, #tpu.memory_space<vmem>>) attributes {dimension_semantics = [], scalar_prefetch = 0 : i64, scratch_operands = 0 : i64, tpu.core_type = #tpu.core_type<tc>} {
    %get3A = arith.constant 0 : index
    %get3A_0 = arith.constant 0 : index
    %get3A_1 = vector.load %arg0[%get3A, %get3A_0] : memref<10000x128xf32, #tpu.memory_space<vmem>>, vector<10000x128xf32>
    %convert_element_type3A = arith.truncf %get3A_1 : vector<10000x128xf32> to vector<10000x128xbf16>
    %get3A_2 = arith.constant 0 : index
    %get3A_3 = arith.constant 0 : index
    %get3A_4 = vector.load %arg3[%get3A_2, %get3A_3] : memref<128x128xbf16, #tpu.memory_space<vmem>>, vector<128x128xbf16>
    %dot_general3A = arith.constant dense<0.000000e+00> : vector<10000x128xf32>
    %dot_general3A_5 = tpu.matmul %convert_element_type3A, %get3A_4, %dot_general3A {dimension_numbers = #tpu.dot_dimension_numbers<[1], [0], [0], [1], [0, 0, 1, 1], [], []>, transpose_lhs_hint = false} : vector<10000x128xbf16>, vector<128x128xbf16>, vector<10000x128xf32> -> vector<10000x128xf32>
    %get3A_6 = arith.constant 0 : index
    %get3A_7 = arith.constant 0 : index
    %get3A_8 = vector.load %arg5[%get3A_6, %get3A_7] : memref<1x128xf32, #tpu.memory_space<vmem>>, vector<1x128xf32>
    %add3A = vector.broadcast %get3A_8 : vector<1x128xf32> to vector<10000x128xf32>
    %add3A_9 = arith.addf %dot_general3A_5, %add3A : vector<10000x128xf32>
    %get3A_10 = arith.constant 0 : index
    %get3A_11 = arith.constant 0 : index
    %get3A_12 = vector.load %arg1[%get3A_10, %get3A_11] : memref<10000x128xf32, #tpu.memory_space<vmem>>, vector<10000x128xf32>
    %convert_element_type3A_13 = arith.truncf %get3A_12 : vector<10000x128xf32> to vector<10000x128xbf16>
    %get3A_14 = arith.constant 0 : index
    %get3A_15 = arith.constant 0 : index
    %get3A_16 = vector.load %arg4[%get3A_14, %get3A_15] : memref<128x128xbf16, #tpu.memory_space<vmem>>, vector<128x128xbf16>
    %dot_general3A_17 = arith.constant dense<0.000000e+00> : vector<10000x128xf32>
    %dot_general3A_18 = tpu.matmul %convert_element_type3A_13, %get3A_16, %dot_general3A_17 {dimension_numbers = #tpu.dot_dimension_numbers<[1], [0], [0], [1], [0, 0, 1, 1], [], []>, transpose_lhs_hint = false} : vector<10000x128xbf16>, vector<128x128xbf16>, vector<10000x128xf32> -> vector<10000x128xf32>
    %add3A_19 = arith.addf %add3A_9, %dot_general3A_18 : vector<10000x128xf32>
    %reduce_sum3A = arith.constant dense<0.000000e+00> : vector<128xf32>
    %reduce_sum3A_20 = vector.multi_reduction <add>, %add3A_19, %reduce_sum3A [0] : vector<10000x128xf32> to vector<128xf32>
    %broadcast_in_dim3A = vector.shape_cast %reduce_sum3A_20 : vector<128xf32> to vector<1x128xf32>
    %div3A = arith.constant 1.000000e+04 : f32
    %div3A_21 = vector.broadcast %div3A : f32 to vector<1x128xf32>
    %div3A_22 = arith.divf %broadcast_in_dim3A, %div3A_21 : vector<1x128xf32>
    %sub3A = vector.broadcast %div3A_22 : vector<1x128xf32> to vector<10000x128xf32>
    %sub3A_23 = arith.subf %add3A_19, %sub3A : vector<10000x128xf32>
    %integer_pow3A = arith.mulf %sub3A_23, %sub3A_23 : vector<10000x128xf32>
    %reduce_sum3A_24 = arith.constant dense<0.000000e+00> : vector<128xf32>
    %reduce_sum3A_25 = vector.multi_reduction <add>, %integer_pow3A, %reduce_sum3A_24 [0] : vector<10000x128xf32> to vector<128xf32>
    %broadcast_in_dim3A_26 = vector.shape_cast %reduce_sum3A_25 : vector<128xf32> to vector<1x128xf32>
    %div3A_27 = arith.constant 1.000000e+04 : f32
    %div3A_28 = vector.broadcast %div3A_27 : f32 to vector<1x128xf32>
    %div3A_29 = arith.divf %broadcast_in_dim3A_26, %div3A_28 : vector<1x128xf32>
    %get3A_30 = arith.constant 0 : index
    %get3A_31 = arith.constant 0 : index
    %get3A_32 = vector.load %arg6[%get3A_30, %get3A_31] : memref<1x128xf32, #tpu.memory_space<vmem>>, vector<1x128xf32>
    %sub3A_33 = vector.broadcast %div3A_22 : vector<1x128xf32> to vector<10000x128xf32>
    %sub3A_34 = arith.subf %add3A_19, %sub3A_33 : vector<10000x128xf32>
    %mul3A = vector.broadcast %get3A_32 : vector<1x128xf32> to vector<10000x128xf32>
    %mul3A_35 = arith.mulf %mul3A, %sub3A_34 : vector<10000x128xf32>
    %add3A_36 = arith.constant 9.99999974E-6 : f32
    %add3A_37 = vector.broadcast %add3A_36 : f32 to vector<1x128xf32>
    %add3A_38 = arith.addf %div3A_29, %add3A_37 : vector<1x128xf32>
    %rsqrt3A = math.rsqrt %add3A_38 : vector<1x128xf32>
    %mul3A_39 = vector.broadcast %rsqrt3A : vector<1x128xf32> to vector<10000x128xf32>
    %mul3A_40 = arith.mulf %mul3A_35, %mul3A_39 : vector<10000x128xf32>
    %get3A_41 = arith.constant 0 : index
    %get3A_42 = arith.constant 0 : index
    %get3A_43 = vector.load %arg7[%get3A_41, %get3A_42] : memref<1x128xf32, #tpu.memory_space<vmem>>, vector<1x128xf32>
    %add3A_44 = vector.broadcast %get3A_43 : vector<1x128xf32> to vector<10000x128xf32>
    %add3A_45 = arith.addf %mul3A_40, %add3A_44 : vector<10000x128xf32>
    %gt3A = arith.constant 0.000000e+00 : f32
    %gt3A_46 = vector.broadcast %gt3A : f32 to vector<10000x128xf32>
    %gt3A_47 = arith.cmpf ogt, %add3A_45, %gt3A_46 : vector<10000x128xf32>
    %mul3A_48 = arith.constant 0.00999999977 : f32
    %mul3A_49 = vector.broadcast %mul3A_48 : f32 to vector<10000x128xf32>
    %mul3A_50 = arith.mulf %mul3A_49, %add3A_45 : vector<10000x128xf32>
    %select_n3A = arith.select %gt3A_47, %add3A_45, %mul3A_50 : vector<10000x128xi1>, vector<10000x128xf32>
    %iota3A = tpu.iota {dimensions = array<i32: 0>} : vector<64x10000xi32>
    %get3A_51 = arith.constant 0 : index
    %get3A_52 = arith.constant 0 : index
    %get3A_53 = vector.load %arg2[%get3A_51, %get3A_52] : memref<1x10000xi32, #tpu.memory_space<vmem>>, vector<1x10000xi32>
    %eq3A = vector.broadcast %get3A_53 : vector<1x10000xi32> to vector<64x10000xi32>
    %eq3A_54 = arith.cmpi eq, %iota3A, %eq3A : vector<64x10000xi32>
    %convert_element_type3A_55 = arith.extui %eq3A_54 : vector<64x10000xi1> to vector<64x10000xi32>
    %convert_element_type3A_56 = arith.sitofp %convert_element_type3A_55 : vector<64x10000xi32> to vector<64x10000xf32>
    %dot_general3A_57 = arith.constant dense<0.000000e+00> : vector<64x128xf32>
    %dot_general3A_58 = tpu.matmul %convert_element_type3A_56, %select_n3A, %dot_general3A_57 {dimension_numbers = #tpu.dot_dimension_numbers<[1], [0], [0], [1], [0, 0, 1, 1], [], []>, precision = #tpu.contract_precision<fp32>, transpose_lhs_hint = false} : vector<64x10000xf32>, vector<10000x128xf32>, vector<64x128xf32> -> vector<64x128xf32>
    %reduce_sum3A_59 = arith.constant dense<0.000000e+00> : vector<64xf32>
    %reduce_sum3A_60 = vector.multi_reduction <add>, %convert_element_type3A_56, %reduce_sum3A_59 [1] : vector<64x10000xf32> to vector<64xf32>
    %broadcast_in_dim3A_61 = vector.shape_cast %reduce_sum3A_60 : vector<64xf32> to vector<64x1xf32>
    %max3A = arith.constant 1.000000e+00 : f32
    %max3A_62 = vector.broadcast %max3A : f32 to vector<64x1xf32>
    %max3A_63 = arith.maximumf %broadcast_in_dim3A_61, %max3A_62 : vector<64x1xf32>
    %div3A_64 = vector.broadcast %max3A_63 : vector<64x1xf32> to vector<64x128xf32>
    %div3A_65 = arith.divf %dot_general3A_58, %div3A_64 : vector<64x128xf32>
    %convert_element_type3A_66 = arith.truncf %div3A_65 : vector<64x128xf32> to vector<64x128xbf16>
    %get3A_67 = arith.constant 0 : index
    %get3A_68 = arith.constant 0 : index
    %get3A_69 = vector.load %arg8[%get3A_67, %get3A_68] : memref<128x64xbf16, #tpu.memory_space<vmem>>, vector<128x64xbf16>
    %dot_general3A_70 = arith.constant dense<0.000000e+00> : vector<64x64xf32>
    %dot_general3A_71 = tpu.matmul %convert_element_type3A_66, %get3A_69, %dot_general3A_70 {dimension_numbers = #tpu.dot_dimension_numbers<[1], [0], [0], [1], [0, 0, 1, 1], [], []>, transpose_lhs_hint = false} : vector<64x128xbf16>, vector<128x64xbf16>, vector<64x64xf32> -> vector<64x64xf32>
    %get3A_72 = arith.constant 0 : index
    %get3A_73 = arith.constant 0 : index
    %get3A_74 = vector.load %arg9[%get3A_72, %get3A_73] : memref<1x64xf32, #tpu.memory_space<vmem>>, vector<1x64xf32>
    %add3A_75 = vector.broadcast %get3A_74 : vector<1x64xf32> to vector<64x64xf32>
    %add3A_76 = arith.addf %dot_general3A_71, %add3A_75 : vector<64x64xf32>
    %reduce_sum3A_77 = arith.constant dense<0.000000e+00> : vector<64xf32>
    %reduce_sum3A_78 = vector.multi_reduction <add>, %add3A_76, %reduce_sum3A_77 [0] : vector<64x64xf32> to vector<64xf32>
    %broadcast_in_dim3A_79 = vector.shape_cast %reduce_sum3A_78 : vector<64xf32> to vector<1x64xf32>
    %div3A_80 = arith.constant 6.400000e+01 : f32
    %div3A_81 = vector.broadcast %div3A_80 : f32 to vector<1x64xf32>
    %div3A_82 = arith.divf %broadcast_in_dim3A_79, %div3A_81 : vector<1x64xf32>
    %sub3A_83 = vector.broadcast %div3A_82 : vector<1x64xf32> to vector<64x64xf32>
    %sub3A_84 = arith.subf %add3A_76, %sub3A_83 : vector<64x64xf32>
    %integer_pow3A_85 = arith.mulf %sub3A_84, %sub3A_84 : vector<64x64xf32>
    %reduce_sum3A_86 = arith.constant dense<0.000000e+00> : vector<64xf32>
    %reduce_sum3A_87 = vector.multi_reduction <add>, %integer_pow3A_85, %reduce_sum3A_86 [0] : vector<64x64xf32> to vector<64xf32>
    %broadcast_in_dim3A_88 = vector.shape_cast %reduce_sum3A_87 : vector<64xf32> to vector<1x64xf32>
    %div3A_89 = arith.constant 6.400000e+01 : f32
    %div3A_90 = vector.broadcast %div3A_89 : f32 to vector<1x64xf32>
    %div3A_91 = arith.divf %broadcast_in_dim3A_88, %div3A_90 : vector<1x64xf32>
    %get3A_92 = arith.constant 0 : index
    %get3A_93 = arith.constant 0 : index
    %get3A_94 = vector.load %arg10[%get3A_92, %get3A_93] : memref<1x64xf32, #tpu.memory_space<vmem>>, vector<1x64xf32>
    %sub3A_95 = vector.broadcast %div3A_82 : vector<1x64xf32> to vector<64x64xf32>
    %sub3A_96 = arith.subf %add3A_76, %sub3A_95 : vector<64x64xf32>
    %mul3A_97 = vector.broadcast %get3A_94 : vector<1x64xf32> to vector<64x64xf32>
    %mul3A_98 = arith.mulf %mul3A_97, %sub3A_96 : vector<64x64xf32>
    %add3A_99 = arith.constant 9.99999974E-6 : f32
    %add3A_100 = vector.broadcast %add3A_99 : f32 to vector<1x64xf32>
    %add3A_101 = arith.addf %div3A_91, %add3A_100 : vector<1x64xf32>
    %rsqrt3A_102 = math.rsqrt %add3A_101 : vector<1x64xf32>
    %mul3A_103 = vector.broadcast %rsqrt3A_102 : vector<1x64xf32> to vector<64x64xf32>
    %mul3A_104 = arith.mulf %mul3A_98, %mul3A_103 : vector<64x64xf32>
    %get3A_105 = arith.constant 0 : index
    %get3A_106 = arith.constant 0 : index
    %get3A_107 = vector.load %arg11[%get3A_105, %get3A_106] : memref<1x64xf32, #tpu.memory_space<vmem>>, vector<1x64xf32>
    %add3A_108 = vector.broadcast %get3A_107 : vector<1x64xf32> to vector<64x64xf32>
    %add3A_109 = arith.addf %mul3A_104, %add3A_108 : vector<64x64xf32>
    %gt3A_110 = arith.constant 0.000000e+00 : f32
    %gt3A_111 = vector.broadcast %gt3A_110 : f32 to vector<64x64xf32>
    %gt3A_112 = arith.cmpf ogt, %add3A_109, %gt3A_111 : vector<64x64xf32>
    %mul3A_113 = arith.constant 0.00999999977 : f32
    %mul3A_114 = vector.broadcast %mul3A_113 : f32 to vector<64x64xf32>
    %mul3A_115 = arith.mulf %mul3A_114, %add3A_109 : vector<64x64xf32>
    %select_n3A_116 = arith.select %gt3A_112, %add3A_109, %mul3A_115 : vector<64x64xi1>, vector<64x64xf32>
    %convert_element_type3A_117 = arith.truncf %select_n3A_116 : vector<64x64xf32> to vector<64x64xbf16>
    %get3A_118 = arith.constant 0 : index
    %get3A_119 = arith.constant 0 : index
    %get3A_120 = vector.load %arg12[%get3A_118, %get3A_119] : memref<64x1xbf16, #tpu.memory_space<vmem>>, vector<64x1xbf16>
    %dot_general3A_121 = arith.constant dense<0.000000e+00> : vector<64x1xf32>
    %dot_general3A_122 = tpu.matmul %convert_element_type3A_117, %get3A_120, %dot_general3A_121 {dimension_numbers = #tpu.dot_dimension_numbers<[1], [0], [0], [1], [0, 0, 1, 1], [], []>, transpose_lhs_hint = false} : vector<64x64xbf16>, vector<64x1xbf16>, vector<64x1xf32> -> vector<64x1xf32>
    %get3A_123 = arith.constant 0 : index
    %get3A_124 = arith.constant 0 : index
    %get3A_125 = vector.load %arg13[%get3A_123, %get3A_124] : memref<1x1xf32, #tpu.memory_space<vmem>>, vector<1x1xf32>
    %add3A_126 = vector.broadcast %get3A_125 : vector<1x1xf32> to vector<64x1xf32>
    %add3A_127 = arith.addf %dot_general3A_122, %add3A_126 : vector<64x1xf32>
    %swap3A = arith.constant 0 : index
    %swap3A_128 = arith.constant 0 : index
    %swap3A_129 = vector.load %arg14[%swap3A, %swap3A_128] : memref<64x1xf32, #tpu.memory_space<vmem>>, vector<64x1xf32>
    tpu.vector_store %arg14[%swap3A, %swap3A_128], %add3A_127 {strides = array<i32>} : memref<64x1xf32, #tpu.memory_space<vmem>>, vector<64x1xf32>,
    return
  }
}

</mosaic_0001>

<sc_bundles>
// kernel: gather_offload_async_start
scs
__scs_entry_jumppad:
0x0: {  	(pc) =	sbr.rel $0x88, $3  }
0x1: {  	(tag) =	ssettag $0x0;
	lr =	simm.s32 $0x1  }
0x2: {  	[smem:$0x3F8F] =	sst lr;
	_ =	strace $0xD0000000  }
0x3: {  	_ = 	snop  }
0x4: {  	_ = 	snop  }
0x5: {  	_ = 	snop  }
0x6: {  	_ = 	snop  }
0x7: {  	_ = 	snop  }
__scs_overlays_trampoline_lowered:
0x8: {  	[smem:$0x3F9E] =	sst s0  }
0x9: {  	[smem:$0x3F9F] =	sst s1  }
0xa: {  	[smem:$0x3FA0] =	sst s2  }
0xb: {  	[smem:$0x3FA1] =	sst s3  }
0xc: {  	[smem:$0x3FA2] =	sst s4  }
0xd: {  	[smem:$0x3FA3] =	sst s5  }
0xe: {  	[smem:$0x3FA4] =	sst s6  }
0xf: {  	[smem:$0x3FA5] =	sst s7  }
0x10: {  	[smem:$0x3FA6] =	sst s8  }
0x11: {  	[smem:$0x3FA7] =	sst s9;
	s0 =	simm.s32 @!p0 $0x0  }
0x12: {  	s1 =	sld [smem:$0x3F8D];
	s0 =	simm.s32 @p0 $0x1  }
0x13: {  	[smem:$0x3FA8] =	sst s0;
	s0 =	simm.s32 @!p1 $0x0  }
0x14: {  	s2 =	sld [smem:$0x3F8C];
	s0 =	simm.s32 @p1 $0x1  }
0x15: {  	[smem:$0x3FA9] =	sst s0;
	s0 =	simm.s32 @!p2 $0x0  }
0x16: {  	s3 =	sld [smem:$0x3FDB];
	s0 =	simm.s32 @p2 $0x1  }
0x17: {  	s4 =	simm.s32 $0x1BF5;
	[smem:$0x3FAB] =	sst s0  }
0x18: {  	s0 =	sld [smem:$0x3F8E];
	_ =	swait.ge [sflag:s4], $0x0  }
0x19: {  	s7 =	sld [smem:$0x3F8F]  }
0x1a: {  	s8 =	sadd.s32 $0xFFFFE003, lr  }
0x1b: {  	s9 =	sadd.s32 $0xFFFFFEF7, lr;
	s5 =	simm.s32 $0xFFFFFFFF;
	p2 =	slt.u32 s8, $0xFFFFF086  }
0x1c: {  	p1 =	slt.u32 s9, $0xF7A;
	s5 =	simm.s32 @!p2 $0x0  }
0x1d: {  	s5 =	simm.s32 @p1 $0x1;
	p0 =	seq.s32 s7, s2  }
0x1e: {  	s7 =	smul.u32 @!p0 $0xF7A, s2;
	p2 =	seq.s32 @!p0 s5, $0x0  }
0x1f: {  	s9 =	smul.u32 $0xF7A, s1;
	s8 =	simm.s32 @!p0 $0x1BF5;
	p2 =	por !p2, p0  }
0x20: {  	[sflag:s8] =	ssyncset.s32 @!p0 $0xFFFFF086;
	s6 =	sadd.s32 @!p0 s3, s7;
	s7 =	simm.s32 @!p0 $0x108  }
0x21: {  	s3 =	sadd.s32 s3, s9;
	s6 =	sadd.s32 @!p0 $0x88, s6;
	s7 =	simm.s32 @p2 $0x1082  }
0x22: {  	[simem:s7], [sflag:s8] =	dma.local @!p0 [hbm:s6], $0xF7A  }
0x23: {  	s9 =	sor.u32 $0xD0000000, s2;
	s6 =	simm.s32 $0x108;
	_ =	swait.ge @!p0 [sflag:s8], $0x0  }
0x24: {  	s3 =	sadd.s32 $0x88, s3;
	s6 =	simm.s32 @!p1 $0x1082;
	[sflag:s4] =	ssyncset.s32 $0xFFFFF086  }
0x25: {  	[simem:s6], [sflag:s4] =	dma.local [hbm:s3], $0xF7A  }
0x26: {  	[smem:$0x3F8F] =	sst s1;
	(tag) =	ssettag s2;
	_ =	strace s9  }
0x27: {  	s1 =	sld [smem:$0x3F9F]  }
0x28: {  	s2 =	sld [smem:$0x3FA0]  }
0x29: {  	s4 =	sld [smem:$0x3FA2]  }
0x2a: {  	p0 =	seq.s32 s5, $0x0;
	s5 =	sld [smem:$0x3FA3]  }
0x2b: {  	s6 =	sld [smem:$0x3FA4]  }
0x2c: {  	s7 =	sld [smem:$0x3FA5]  }
0x2d: {  	s3 =	simm.s32 $0x108;
	s8 =	sld [smem:$0x3FA6]  }
0x2e: {  	s3 =	simm.s32 @!p0 $0x1082;
	s9 =	sld [smem:$0x3FA7]  }
0x2f: {  	lr =	sadd.s32 s0, s3;
	s0 =	sld [smem:$0x3F9E]  }
0x30: {  	s3 =	sld [smem:$0x3FA1]  }
0x31: {  	[smem:$0x3FAA] =	sst s10  }
0x32: {  	s10 =	sld [smem:$0x3FA8];
	_ =	sdelay $0x3  }
0x33: {  	p0 =	seq.s32 s10, $0x1;
	s10 =	sld [smem:$0x3FAA];
	_ =	sdelay $0x3  }
0x34: {  	[smem:$0x3FAA] =	sst s10  }
0x35: {  	s10 =	sld [smem:$0x3FA9];
	_ =	sdelay $0x3  }
0x36: {  	p1 =	seq.s32 s10, $0x1;
	s10 =	sld [smem:$0x3FAA];
	_ =	sdelay $0x3  }
0x37: {  	[smem:$0x3FAA] =	sst s10  }
0x38: {  	s10 =	sld [smem:$0x3FAB]  }
0x39: {  	_ = 	snop;
	(pc) =	sbr.ind lr, $3  }
0x3a: {  	_ = 	snop  }
0x3b: {  	_ = 	snop  }
0x3c: {  	p2 =	seq.s32 s10, $0x1;
	s10 =	sld [smem:$0x3FAA]  }
0x3d: {  	_ =	shalt  }
0x3e: {  	_ =	shalt  }
0x3f: {  	_ =	shalt  }
0x40: {  	_ =	shalt  }
0x41: {  	_ =	shalt  }
0x42: {  	_ =	shalt  }
0x43: {  	_ =	shalt  }
0x44: {  	_ =	shalt  }
0x45: {  	_ =	shalt  }
0x46: {  	_ =	shalt  }
0x47: {  	_ =	shalt  }
0x48: {  	_ =	shalt  }
0x49: {  	_ =	shalt  }
0x4a: {  	_ =	shalt  }
0x4b: {  	_ =	shalt  }
0x4c: {  	_ =	shalt  }
0x4d: {  	_ =	shalt  }
0x4e: {  	_ =	shalt  }
0x4f: {  	_ =	shalt  }
0x50: {  	_ =	shalt  }
0x51: {  	_ =	shalt  }
0x52: {  	_ =	shalt  }
0x53: {  	_ =	shalt  }
0x54: {  	_ =	shalt  }
0x55: {  	_ =	shalt  }
0x56: {  	_ =	shalt  }
0x57: {  	_ =	shalt  }
0x58: {  	_ =	shalt  }
0x59: {  	_ =	shalt  }
0x5a: {  	_ =	shalt  }
0x5b: {  	_ =	shalt  }
0x5c: {  	_ =	shalt  }
0x5d: {  	_ =	shalt  }
0x5e: {  	_ =	shalt  }
0x5f: {  	_ =	shalt  }
0x60: {  	_ =	shalt  }
0x61: {  	_ =	shalt  }
0x62: {  	_ =	shalt  }
0x63: {  	_ =	shalt  }
0x64: {  	_ =	shalt  }
0x65: {  	_ =	shalt  }
0x66: {  	_ =	shalt  }
0x67: {  	_ =	shalt  }
0x68: {  	_ =	shalt  }
0x69: {  	_ =	shalt  }
0x6a: {  	_ =	shalt  }
0x6b: {  	_ =	shalt  }
0x6c: {  	_ =	shalt  }
0x6d: {  	_ =	shalt  }
0x6e: {  	_ =	shalt  }
0x6f: {  	_ =	shalt  }
0x70: {  	_ =	shalt  }
0x71: {  	_ =	shalt  }
0x72: {  	_ =	shalt  }
0x73: {  	_ =	shalt  }
0x74: {  	_ =	shalt  }
0x75: {  	_ =	shalt  }
0x76: {  	_ =	shalt  }
0x77: {  	_ =	shalt  }
0x78: {  	_ =	shalt  }
0x79: {  	_ =	shalt  }
0x7a: {  	_ =	shalt  }
0x7b: {  	_ =	shalt  }
0x7c: {  	_ =	shalt  }
0x7d: {  	_ =	shalt  }
0x7e: {  	_ =	shalt  }
0x7f: {  	_ =	shalt  }
0x80: {  	_ =	shalt  }
0x81: {  	_ =	shalt  }
0x82: {  	_ =	shalt  }
0x83: {  	_ =	shalt  }
0x84: {  	_ =	shalt  }
0x85: {  	_ =	shalt  }
0x86: {  	_ =	shalt  }
0x87: {  	_ =	shalt  }
.Lfunc_end0:
.L_simem_size_0:
called_computation.1_lowered:
.L_overlay_start_0:
0x88: {  	s0 =	sld [smem:$0x3FD9]  }
0x89: {  	s1 =	sld [smem:$0x3FFE];
	_ =	sdelay $0x3  }
0x8a: {  	s0 =	sadd.s32 s1, s0  }
0x8b: {  	[smem:$0x3FB6] =	sst s0  }
0x8c: {  	_ = 	snop  }
0x8d: {  	(tm) =	ssettm $0x1  }
0x8e: {  	s15 =	sld [smem:$0x3FFB];
	_ =	sdelay $0x3  }
0x8f: {  	_ =	strace s15  }
0x90: {  	s0 =	sld [smem:$0x3FFC];
	_ =	sdelay $0x3  }
0x91: {  	_ =	strace s0  }
0x92: {  	s0 =	sld [smem:$0x3FFD];
	_ =	sdelay $0x3  }
0x93: {  	_ =	strace s0  }
0x94: {  	_ =	strace $0x8FFFFFFF  }
0x95: {  	s16 =	sld [smem:$0x3FDB];
	_ =	sdelay $0x1  }
0x96: {  	s17 =	simm.s32 $_scs_section_size  }
0x97: {  	s2 =	simm.s32 $_size__tile_overlayer_lowered;
	s3 =	simm.s32 $_tile_overlayer_lowered  }
0x98: {  	s20 =	simm.s32 $0x1BFF;
	s19 =	sshll.u32 s3, $0x1;
	s0 =	sadd.s32 s17, s16  }
0x99: {  	s4 =	simm.s32 $0x0;
	s18 =	sshll.u32 s2, $0x1;
	s2 =	sadd.s32 s19, s0  }
0x9a: {  	[timem:s4], [sflag:s20] =	dma.local [hbm:s2], s18  }
0x9b: {  	_ =	swait.ge [sflag:s20], s18  }
0x9c: {  	s1 =	ssub.s32 $0x0, s18;
	[sflag:s20] =	ssyncset.done $0x0  }
0x9d: {  	[sflag:s20] =	ssyncadd.s32 s1;
	_ =	sdelay $0x1  }
0x9e: {  	s21 =	simm.s32 $0x1B8B  }
0x9f: {  	_ =	swait.ge [sflag:s21], $0x1  }
0xa0: {  	[sflag:s21] =	ssyncset.done $0x0  }
0xa1: {  	s23 =	simm.s32 $0x1B8E;
	s22 =	sld [smem:$0x3FFE];
	[sflag:s21] =	ssyncadd.s32 $0xFFFFFFFF  }
0xa2: {  	s24 =	simm.s32 $execute0_lowered;
	[smem:$0x3FD2] =	sst s23  }
0xa3: {  	s2 =	sshll.u32 s24, $0x1;
	_ =	strace $0x80000049;
	[dreg:$0x1] =	wrdreg $0xFFFFFFFF  }
0xa4: {  	s25 =	simm.s32 $_size_execute0_lowered;
	s0 =	sadd.s32 s0, s2;
	[dreg:$0x0] =	wrdreg $0x0  }
0xa5: {  	s2 =	sshll.u32 s25, $0x1;
	[dreg:$0x2] =	wrdreg s0  }
0xa6: {  	[dreg:$0x3] =	wrdreg s2  }
0xa7: {  	[dreg:$0x4] =	wrdreg $0xC0  }
0xa8: {  	_ =	task [dreg:s4], $0x5FFFF  }
0xa9: {  	[dreg:$0x1] =	wrdreg $0xFFFFFFFF  }
0xaa: {  	[dreg:$0x0] =	wrdreg $0x60  }
0xab: {  	[dreg:$0x2] =	wrdreg s22  }
0xac: {  	[dreg:$0x3] =	wrdreg $0x9  }
0xad: {  	_ =	task.clear_ibuf [dreg:s4], $0x4FFFF;
	_ =	strace $0x90000049  }
0xae: {  	s26 =	simm.s32 $0x9;
	_ =	strace $0x8000004B  }
0xaf: {  	_ =	swait.ge [sflag:s26], $0x1  }
0xb0: {  	[sflag:s26] =	ssyncadd.s32 $0xFFFFFFFF  }
0xb1: {  	_ =	strace $0x9000004B  }
0xb2: {  	_ =	sfence  }
0xb3: {  	s28 =	sld [smem:$0x0];
	_ =	sdelay $0x1  }
0xb4: {  	s29 =	srdreg.scid  }
0xb5: {  	s30 =	sshll.u32 s29, $0xD;
	s31 =	sshrl.u32 s29, $0x2  }
0xb6: {  	s1 =	sand.u32 $0x1, s29;
	s2 =	sand.u32 $0x4000, s30;
	s0 =	sadd.s32 s31, s28  }
0xb7: {  	s1 =	sor.u32 s2, s1;
	s0 =	sshll.u32 s0, $0x11  }
0xb8: {  	s0 =	sor.u32 s0, s1  }
0xb9: {  	s0 =	sadd.s32 $0x8F2B, s0  }
0xba: {  	[sflag:s0] =	ssyncadd.remote.s32 $0x1  }
0xbb: {  	_ =	sfence.sel $0xFFFF  }
0xbc: {  	[dreg:$0x0] =	wrdreg $0xFFFFFFFF;
	(pc) =	sbr.abs _section_cstart, $3  }
0xbd: {  	[dreg:$0x1] =	wrdreg $0xFFFFFFFF  }
0xbe: {  	_ =	task.clear_ibuf [dreg:s4], $0x2FFFF;
	_ =	strace $0x9FFFFFFF  }
0xbf: {  	(tm) =	ssettm $0x7FFFFFFF  }
tec
execute0_lowered:
.L_overlay_start_1:
0x0: {  	(tag) =	ssettag $0x1  }
0x1: {  	s0 =	stileid.u32  }
0x2: {  	s1 =	smin.u32 s0, $0x9  }
0x3: {  	s1 =	sadd.s32 s0, s1  }
0x4: {  	s2 =	simm.s32 $0x320;
	p0 =	slt.u32 s0, $0x9;
	s1 =	smul.u32 $0x190, s1  }
0x5: {  	s2 =	simm.s32 @!p0 $0x190  }
0x6: {  	s2 =	sadd.s32 s2, s1  }
0x7: {  	s3 =	smin.u32 s2, $0x2710  }
0x8: {  	s7 =	ssub.s32 s3, s1  }
0x9: {  	p0 =	sgt.s32 s7, $0x0  }
0xa: {  	s7 =	simm.s32 @!p0 $0x0  }
0xb: {  	s31 =	sand.u32 $0xFFF0, s7  }
0xc: {  	s2 =	sshrl.u32 s31, $0x4  }
0xd: {  	s2 =	smul.u32 $0xA3E, s2  }
0xe: {  	s9 =	rddreg [dreg:$0x0];
	s6 =	simm.s32 $0x1;
	s11 =	simm.s32 $0x3  }
0xf: {  	s13 =	simm.s32 $0x0;
	s12 =	simm.s32 $0x0;
	s8 =	sshrl.u32 s2, $0x10  }
0x10: {  	s4 =	sadd.s32 $0x2600, s9;
	s5 =	sadd.s32 $0x2000, s9;
	s10 =	smul.u32 $0x190, s8  }
.Ltmp0:
0x11: {  	s9 =	sadd.s32 $0x2A600, s9;
	s2 =	rddreg [dreg:$0x1];
	(pc) =	sbr.rel .LBB2_1-.Ltmp0, $4  }
0x12: {  	_ =	strace $0x8000004A;
	p0 =	sne.s32 s7, s10;
	s10 =	simm.s32 $0x1  }
0x13: {  	[sflag:s6] =	ssyncpa.u1 $0x0;
	s7 =	simm.s32 $0x2;
	s10 =	simm.s32 @!p0 $0x0  }
0x14: {  	[sflag:s7] =	ssyncpa.u1 $0x0;
	p0 =	por $0x0, $0x0;
	s8 =	sadd.s32 s8, s10  }
0x15: {  	vm0 =	vmmov $0xff;
	vm1 =	vcmask $0x3F20;
	[sflag:s11] =	ssyncpa.u1 $0x0;
	s11 =	smov.u32 s1;
	s10 =	sadd.s32 $0x1, s8  }
.LBB2_6:
0x16: {  	[hbm:s17] =	stream.linear.scatter [tilespmem:s14], [sflag:$0x3], $0x400, $0x38;
	[tilespmem:$0x19320] =	vst v63  }
.LBB2_7:
0x17: {  	s13 =	sadd.s32 $0x190, s11  }
0x18: {  	s15 =	smov.u32 s1;
	p2 =	slt.s32 s13, s3  }
0x19: {  	s15 =	smov.u32 @p2 s13;
	p2 =	sne.s32 s12, s10  }
.Ltmp1:
0x1a: {  	p1 =	slt.u32 s12, $0x2;
	(pc) =	sbr.rel @!p2 .LBB2_8-.Ltmp1, $4  }
0x1b: {  	s14 =	simm.s32 @!p1 $0x3  }
0x1c: {  	s16 =	sadd.s32 $0x1, s12;
	_ =	swait.ge @!p1 [sflag:s14], $0xC800  }
0x1d: {  	p0 =	por !p0, !p0;
	s13 =	smov.u32 s11;
	[sflag:s14] =	ssyncset.done @!p1 $0x0  }
0x1e: {  	s12 =	smov.u32 s16;
	s11 =	smov.u32 s15;
	[sflag:s14] =	ssyncadd.s32 @!p1 $0xFFFF3800  }
.LBB2_1:
0x1f: {  	p1 =	sge.u32 s12, s8  }
0x20: {  	s14 =	sxor.u32 @!p1 $0xFFFFFFFF, s12  }
0x21: {  	s14 =	sand.u32 @!p1 $0x1, s14  }
0x22: {  	s14 =	smul.u32 @!p1 $0x640, s14  }
0x23: {  	s31 =	sadd.s32 $0xFFFFFFFF, s12;
	s15 =	sshrl.u32 @!p1 s11, $0x3  }
0x24: {  	s16 =	sand.u32 @!p1 $0x7, s11;
	s15 =	sadd.s32 @!p1 s5, s15;
	s14 =	sshrl.u32 @!p1 s14, $0x2  }
0x25: {  	[tilespmem:s14], [sflag:$0x2] =	stream.linear.gather @!p1 [hbm4b:s15+s16], $0x190, $0x38;
	[tilespmem:$0x19320] =	vst v63  }
0x26: {  	p1 =	sge.u32 s31, s8  }
.Ltmp2:
0x27: {  	_ = 	snop;
	(pc) =	sbr.rel @p1 .LBB2_7-.Ltmp2, $1  }
0x28: {  	_ =	sdelay $0x3  }
0x29: {  	s14 =	simm.s32 $0x1  }
0x2a: {  	s14 =	simm.s32 @!p0 $0x0  }
0x2b: {  	s15 =	smul.u32 $0x640, s14  }
0x2c: {  	_ =	swait.ge [sflag:s7], $0x190  }
0x2d: {  	[sflag:s7] =	ssyncset.done $0x0;
	s16 =	sshrl.u32 s15, $0x2  }
0x2e: {  	[sflag:s7] =	ssyncadd.s32 $0xFFFFFE70;
	s15 =	sadd.s32 $0x0, s16  }
0x2f: {  	v0 =	vld.msk [tilespmem:s15+$0x0 ss:$0x1], $0xffff;
	_ =	sdelay $0x4  }
0x30: {  	vm2 =	vgt.s32 v0, $0x0  }
0x31: {  	v0 =	vnsel vm2, $0x0, v0  }
0x32: {  	v0 =	vmin.u32 v0, $0x27FF  }
0x33: {  	v0 =	vshll.u32 v0, $0x4  }
0x34: {  	s14 =	smul.u32 $0x32000, s14;
	_ =	sdelay $0x1  }
0x35: {  	s14 =	sshrl.u32 s14, $0x2  }
0x36: {  	s14 =	sor.u32 $0x320, s14  }
0x37: {  	[tilespmem:s14], [sflag:$0x1] =	stream.indirect_vreg.gather [hbm:s4], $0x80, v0, vm0, $0x38;
	[tilespmem:$0x19320] =	vst v63  }
0x38: {  	s17 =	sadd.s32 $0x10, s16;
	s15 =	sadd.s32 $0x400, s14  }
0x39: {  	[tilespmem:s15], [sflag:$0x1] =	stream.indirect_vreg.gather [hbm:s4], $0x80, v0, vm1, $0x38;
	[tilespmem:$0x19320] =	vst v63  }
0x3a: {  	s18 =	simm.s32 $0x80;
	v0 =	vld.msk [tilespmem:s17+$0x0 ss:$0x1], $0xffff;
	s17 =	smov.u32 s14  }
.LBB2_3:
0x3b: {  	p1 =	sne.s32 s18, $0x600;
	_ =	sdelay $0x4  }
0x3c: {  	vm2 =	vgt.s32 v0, $0x0  }
0x3d: {  	v0 =	vnsel vm2, $0x0, v0  }
0x3e: {  	v0 =	vmin.u32 v0, $0x27FF  }
0x3f: {  	v0 =	vshll.u32 v0, $0x4;
	_ =	sdelay $0x3  }
.Ltmp3:
0x40: {  	s19 =	sshra.s32 s18, $0x2;
	s17 =	sadd.s32 $0x800, s17;
	(pc) =	sbr.rel @p1 .LBB2_3-.Ltmp3, $4  }
0x41: {  	[tilespmem:s17], [sflag:$0x1] =	stream.indirect_vreg.gather [hbm:s4], $0x80, v0, vm0, $0x38;
	[tilespmem:$0x19320] =	vst v63  }
0x42: {  	s19 =	sadd.s32 s19, s16;
	s20 =	sadd.s32 $0x400, s17  }
0x43: {  	[tilespmem:s20], [sflag:$0x1] =	stream.indirect_vreg.gather [hbm:s4], $0x80, v0, vm1, $0x38;
	[tilespmem:$0x19320] =	vst v63  }
0x44: {  	s18 =	sadd.s32 $0x40, s18;
	v0 =	vld.msk [tilespmem:s19+$0x0 ss:$0x1], $0xffff  }
0x45: {  	_ =	sdelay $0x3  }
0x46: {  	vm2 =	vgt.s32 v0, $0x0  }
0x47: {  	v0 =	vnsel vm2, $0x0, v0  }
0x48: {  	v0 =	vmin.u32 v0, $0x27FF  }
0x49: {  	v0 =	vshll.u32 v0, $0x4;
	_ =	sdelay $0x3  }
0x4a: {  	s16 =	sadd.s32 $0x800, s17  }
0x4b: {  	[tilespmem:s16], [sflag:$0x1] =	stream.indirect_vreg.gather [hbm:s4], $0x80, v0, vm0, $0x38;
	[tilespmem:$0x19320] =	vst v63  }
0x4c: {  	s16 =	sadd.s32 $0x400, s16  }
0x4d: {  	[tilespmem:s16], [sflag:$0x1] =	stream.indirect_vreg.gather [hbm:s4], $0x80, v0, vm1, $0x38;
	[tilespmem:$0x19320] =	vst v63  }
0x4e: {  	s13 =	sshll.u32 s13, $0x4;
	_ =	swait.ge [sflag:s6], $0xC800  }
0x4f: {  	s13 =	sadd.s32 s13, s9;
	[sflag:s6] =	ssyncset.done $0x0  }
0x50: {  	s17 =	sadd.s32 $0x0, s13;
	s16 =	simm.s32 $0x80;
	[sflag:s6] =	ssyncadd.s32 $0xFFFF3800  }
.LBB2_5:
0x51: {  	[hbm:s17] =	stream.linear.scatter [tilespmem:s14], [sflag:$0x3], $0x400, $0x38;
	[tilespmem:$0x19320] =	vst v63  }
0x52: {  	s17 =	smov.u32 s16;
	s14 =	smov.u32 s15;
	p1 =	sne.s32 s16, $0x1880  }
.Ltmp4:
0x53: {  	s16 =	sadd.s32 $0x80, s16;
	(pc) =	sbr.rel @p1 .LBB2_5-.Ltmp4, $2  }
0x54: {  	_ =	sdelay $0x2  }
0x55: {  	s15 =	sadd.s32 $0x400, s15;
	s17 =	sadd.s32 s17, s13  }
.Ltmp5:
0x56: {  	_ = 	snop;
	(pc) =	sbr.rel .LBB2_6-.Ltmp5, $1  }
0x57: {  	_ =	sdelay $0x3  }
.LBB2_8:
0x58: {  	_ =	sfence.sel $0x180000  }
0x59: {  	s1 =	simm.s32 $0x2;
	[bflag:$0x0] =	sbarrier.arrive $0xFFFF  }
0x5a: {  	s30 =	simm.s32 $0x3;
	[sflag:s1] =	ssyncpa.u1 $0x1  }
0x5b: {  	s31 =	simm.s32 $0x1;
	[sflag:s30] =	ssyncpa.u1 $0x1  }
0x5c: {  	[sflag:s31] =	ssyncpa.u1 $0x1  }
0x5d: {  	p0 =	sne.s32 s0, $0x0;
	_ =	strace $0x9000004A  }
0x5e: {  	s0 =	sadd.s32 @!p0 $0x100000, s2;
	[bflag:$0x2] =	sbarrier.arrive $0xFFFF  }
0x5f: {  	[sflag:s0] =	ssyncadd.tile.s32 @!p0 $0x1;
	_ =	shalt  }
.Lfunc_end2:
_tile_overlayer_lowered:
.L_overlay_start_2:
0x60: {  	(tag) =	ssettag $0x2  }
0x61: {  	s0 =	rddreg [dreg:$0x0];
	s2 =	stileid.u32  }
0x62: {  	s1 =	rddreg [dreg:$0x1];
	p0 =	sne.s32 s2, $0x0  }
0x63: {  	s3 =	rddreg [dreg:$0x2];
	[bflag:$0x3] =	sbarrier.arrive $0xFFFF;
	s2 =	simm.s32 @!p0 $0x1C01  }
0x64: {  	[timem:s3], [sflag:s2] =	dma.local @!p0 [hbm:s0], s1  }
0x65: {  	s0 =	simm.s32 @!p0 $0x1  }
0x66: {  	_ =	swait.ge @!p0 [sflag:s0], s1  }
0x67: {  	s1 =	ssub.s32 @!p0 $0x0, s1;
	[sflag:s0] =	ssyncset.done @!p0 $0x0  }
0x68: {  	[sflag:s0] =	ssyncadd.s32 @!p0 s1  }
0x69: {  	[bflag:$0x3] =	sbarrier.arrive $0xFFFF  }
0x6a: {  	_ =	shalt  }

// kernel: scatter_offload_async_start
scs
__scs_entry_jumppad:
0x0: {  	(pc) =	sbr.rel $0x88, $3  }
0x1: {  	(tag) =	ssettag $0x0;
	lr =	simm.s32 $0x1  }
0x2: {  	[smem:$0x3F8F] =	sst lr;
	_ =	strace $0xD0000000  }
0x3: {  	_ = 	snop  }
0x4: {  	_ = 	snop  }
0x5: {  	_ = 	snop  }
0x6: {  	_ = 	snop  }
0x7: {  	_ = 	snop  }
__scs_overlays_trampoline_lowered:
0x8: {  	[smem:$0x3F9E] =	sst s0  }
0x9: {  	[smem:$0x3F9F] =	sst s1  }
0xa: {  	[smem:$0x3FA0] =	sst s2  }
0xb: {  	[smem:$0x3FA1] =	sst s3  }
0xc: {  	[smem:$0x3FA2] =	sst s4  }
0xd: {  	[smem:$0x3FA3] =	sst s5  }
0xe: {  	[smem:$0x3FA4] =	sst s6  }
0xf: {  	[smem:$0x3FA5] =	sst s7  }
0x10: {  	[smem:$0x3FA6] =	sst s8  }
0x11: {  	[smem:$0x3FA7] =	sst s9;
	s0 =	simm.s32 @!p0 $0x0  }
0x12: {  	s1 =	sld [smem:$0x3F8D];
	s0 =	simm.s32 @p0 $0x1  }
0x13: {  	[smem:$0x3FA8] =	sst s0;
	s0 =	simm.s32 @!p1 $0x0  }
0x14: {  	s2 =	sld [smem:$0x3F8C];
	s0 =	simm.s32 @p1 $0x1  }
0x15: {  	[smem:$0x3FA9] =	sst s0;
	s0 =	simm.s32 @!p2 $0x0  }
0x16: {  	s3 =	sld [smem:$0x3FDB];
	s0 =	simm.s32 @p2 $0x1  }
0x17: {  	s4 =	simm.s32 $0x1BF5;
	[smem:$0x3FAB] =	sst s0  }
0x18: {  	s0 =	sld [smem:$0x3F8E];
	_ =	swait.ge [sflag:s4], $0x0  }
0x19: {  	s7 =	sld [smem:$0x3F8F]  }
0x1a: {  	s8 =	sadd.s32 $0xFFFFE003, lr  }
0x1b: {  	s9 =	sadd.s32 $0xFFFFFEF7, lr;
	s5 =	simm.s32 $0xFFFFFFFF;
	p2 =	slt.u32 s8, $0xFFFFF086  }
0x1c: {  	p1 =	slt.u32 s9, $0xF7A;
	s5 =	simm.s32 @!p2 $0x0  }
0x1d: {  	s5 =	simm.s32 @p1 $0x1;
	p0 =	seq.s32 s7, s2  }
0x1e: {  	s7 =	smul.u32 @!p0 $0xF7A, s2;
	p2 =	seq.s32 @!p0 s5, $0x0  }
0x1f: {  	s9 =	smul.u32 $0xF7A, s1;
	s8 =	simm.s32 @!p0 $0x1BF5;
	p2 =	por !p2, p0  }
0x20: {  	[sflag:s8] =	ssyncset.s32 @!p0 $0xFFFFF086;
	s6 =	sadd.s32 @!p0 s3, s7;
	s7 =	simm.s32 @!p0 $0x108  }
0x21: {  	s3 =	sadd.s32 s3, s9;
	s6 =	sadd.s32 @!p0 $0x88, s6;
	s7 =	simm.s32 @p2 $0x1082  }
0x22: {  	[simem:s7], [sflag:s8] =	dma.local @!p0 [hbm:s6], $0xF7A  }
0x23: {  	s9 =	sor.u32 $0xD0000000, s2;
	s6 =	simm.s32 $0x108;
	_ =	swait.ge @!p0 [sflag:s8], $0x0  }
0x24: {  	s3 =	sadd.s32 $0x88, s3;
	s6 =	simm.s32 @!p1 $0x1082;
	[sflag:s4] =	ssyncset.s32 $0xFFFFF086  }
0x25: {  	[simem:s6], [sflag:s4] =	dma.local [hbm:s3], $0xF7A  }
0x26: {  	[smem:$0x3F8F] =	sst s1;
	(tag) =	ssettag s2;
	_ =	strace s9  }
0x27: {  	s1 =	sld [smem:$0x3F9F]  }
0x28: {  	s2 =	sld [smem:$0x3FA0]  }
0x29: {  	s4 =	sld [smem:$0x3FA2]  }
0x2a: {  	p0 =	seq.s32 s5, $0x0;
	s5 =	sld [smem:$0x3FA3]  }
0x2b: {  	s6 =	sld [smem:$0x3FA4]  }
0x2c: {  	s7 =	sld [smem:$0x3FA5]  }
0x2d: {  	s3 =	simm.s32 $0x108;
	s8 =	sld [smem:$0x3FA6]  }
0x2e: {  	s3 =	simm.s32 @!p0 $0x1082;
	s9 =	sld [smem:$0x3FA7]  }
0x2f: {  	lr =	sadd.s32 s0, s3;
	s0 =	sld [smem:$0x3F9E]  }
0x30: {  	s3 =	sld [smem:$0x3FA1]  }
0x31: {  	[smem:$0x3FAA] =	sst s10  }
0x32: {  	s10 =	sld [smem:$0x3FA8];
	_ =	sdelay $0x3  }
0x33: {  	p0 =	seq.s32 s10, $0x1;
	s10 =	sld [smem:$0x3FAA];
	_ =	sdelay $0x3  }
0x34: {  	[smem:$0x3FAA] =	sst s10  }
0x35: {  	s10 =	sld [smem:$0x3FA9];
	_ =	sdelay $0x3  }
0x36: {  	p1 =	seq.s32 s10, $0x1;
	s10 =	sld [smem:$0x3FAA];
	_ =	sdelay $0x3  }
0x37: {  	[smem:$0x3FAA] =	sst s10  }
0x38: {  	s10 =	sld [smem:$0x3FAB]  }
0x39: {  	_ = 	snop;
	(pc) =	sbr.ind lr, $3  }
0x3a: {  	_ = 	snop  }
0x3b: {  	_ = 	snop  }
0x3c: {  	p2 =	seq.s32 s10, $0x1;
	s10 =	sld [smem:$0x3FAA]  }
0x3d: {  	_ =	shalt  }
0x3e: {  	_ =	shalt  }
0x3f: {  	_ =	shalt  }
0x40: {  	_ =	shalt  }
0x41: {  	_ =	shalt  }
0x42: {  	_ =	shalt  }
0x43: {  	_ =	shalt  }
0x44: {  	_ =	shalt  }
0x45: {  	_ =	shalt  }
0x46: {  	_ =	shalt  }
0x47: {  	_ =	shalt  }
0x48: {  	_ =	shalt  }
0x49: {  	_ =	shalt  }
0x4a: {  	_ =	shalt  }
0x4b: {  	_ =	shalt  }
0x4c: {  	_ =	shalt  }
0x4d: {  	_ =	shalt  }
0x4e: {  	_ =	shalt  }
0x4f: {  	_ =	shalt  }
0x50: {  	_ =	shalt  }
0x51: {  	_ =	shalt  }
0x52: {  	_ =	shalt  }
0x53: {  	_ =	shalt  }
0x54: {  	_ =	shalt  }
0x55: {  	_ =	shalt  }
0x56: {  	_ =	shalt  }
0x57: {  	_ =	shalt  }
0x58: {  	_ =	shalt  }
0x59: {  	_ =	shalt  }
0x5a: {  	_ =	shalt  }
0x5b: {  	_ =	shalt  }
0x5c: {  	_ =	shalt  }
0x5d: {  	_ =	shalt  }
0x5e: {  	_ =	shalt  }
0x5f: {  	_ =	shalt  }
0x60: {  	_ =	shalt  }
0x61: {  	_ =	shalt  }
0x62: {  	_ =	shalt  }
0x63: {  	_ =	shalt  }
0x64: {  	_ =	shalt  }
0x65: {  	_ =	shalt  }
0x66: {  	_ =	shalt  }
0x67: {  	_ =	shalt  }
0x68: {  	_ =	shalt  }
0x69: {  	_ =	shalt  }
0x6a: {  	_ =	shalt  }
0x6b: {  	_ =	shalt  }
0x6c: {  	_ =	shalt  }
0x6d: {  	_ =	shalt  }
0x6e: {  	_ =	shalt  }
0x6f: {  	_ =	shalt  }
0x70: {  	_ =	shalt  }
0x71: {  	_ =	shalt  }
0x72: {  	_ =	shalt  }
0x73: {  	_ =	shalt  }
0x74: {  	_ =	shalt  }
0x75: {  	_ =	shalt  }
0x76: {  	_ =	shalt  }
0x77: {  	_ =	shalt  }
0x78: {  	_ =	shalt  }
0x79: {  	_ =	shalt  }
0x7a: {  	_ =	shalt  }
0x7b: {  	_ =	shalt  }
0x7c: {  	_ =	shalt  }
0x7d: {  	_ =	shalt  }
0x7e: {  	_ =	shalt  }
0x7f: {  	_ =	shalt  }
0x80: {  	_ =	shalt  }
0x81: {  	_ =	shalt  }
0x82: {  	_ =	shalt  }
0x83: {  	_ =	shalt  }
0x84: {  	_ =	shalt  }
0x85: {  	_ =	shalt  }
0x86: {  	_ =	shalt  }
0x87: {  	_ =	shalt  }
.Lfunc_end0:
.L_simem_size_0:
called_computation_lowered:
.L_overlay_start_0:
0x88: {  	s0 =	sld [smem:$0x3FD9]  }
0x89: {  	s1 =	sld [smem:$0x3FFE];
	_ =	sdelay $0x3  }
0x8a: {  	s0 =	sadd.s32 s1, s0  }
0x8b: {  	[smem:$0x3FB6] =	sst s0  }
0x8c: {  	_ = 	snop  }
0x8d: {  	(tm) =	ssettm $0x1  }
0x8e: {  	s15 =	sld [smem:$0x3FFB];
	_ =	sdelay $0x3  }
0x8f: {  	_ =	strace s15  }
0x90: {  	s0 =	sld [smem:$0x3FFC];
	_ =	sdelay $0x3  }
0x91: {  	_ =	strace s0  }
0x92: {  	s0 =	sld [smem:$0x3FFD];
	_ =	sdelay $0x3  }
0x93: {  	_ =	strace s0  }
0x94: {  	_ =	strace $0x8FFFFFFF  }
0x95: {  	s16 =	sld [smem:$0x3FDB];
	_ =	sdelay $0x1  }
0x96: {  	s17 =	simm.s32 $_scs_section_size  }
0x97: {  	s2 =	simm.s32 $_size__tile_overlayer_lowered;
	s3 =	simm.s32 $_tile_overlayer_lowered  }
0x98: {  	s20 =	simm.s32 $0x1BFF;
	s19 =	sshll.u32 s3, $0x1;
	s0 =	sadd.s32 s17, s16  }
0x99: {  	s4 =	simm.s32 $0x0;
	s18 =	sshll.u32 s2, $0x1;
	s2 =	sadd.s32 s19, s0  }
0x9a: {  	[timem:s4], [sflag:s20] =	dma.local [hbm:s2], s18  }
0x9b: {  	_ =	swait.ge [sflag:s20], s18  }
0x9c: {  	s1 =	ssub.s32 $0x0, s18;
	[sflag:s20] =	ssyncset.done $0x0  }
0x9d: {  	[sflag:s20] =	ssyncadd.s32 s1;
	_ =	sdelay $0x1  }
0x9e: {  	s21 =	simm.s32 $0x1B8B  }
0x9f: {  	_ =	swait.ge [sflag:s21], $0x1  }
0xa0: {  	[sflag:s21] =	ssyncset.done $0x0  }
0xa1: {  	s23 =	simm.s32 $0x1B8E;
	s22 =	sld [smem:$0x3FFE];
	[sflag:s21] =	ssyncadd.s32 $0xFFFFFFFF  }
0xa2: {  	s24 =	simm.s32 $execute0_lowered;
	[smem:$0x3FD2] =	sst s23  }
0xa3: {  	s2 =	sshll.u32 s24, $0x1;
	_ =	strace $0x80000046;
	[dreg:$0x1] =	wrdreg $0xFFFFFFFF  }
0xa4: {  	s25 =	simm.s32 $_size_execute0_lowered;
	s0 =	sadd.s32 s0, s2;
	[dreg:$0x0] =	wrdreg $0x0  }
0xa5: {  	s2 =	sshll.u32 s25, $0x1;
	[dreg:$0x2] =	wrdreg s0  }
0xa6: {  	[dreg:$0x3] =	wrdreg s2  }
0xa7: {  	[dreg:$0x4] =	wrdreg $0xC0  }
0xa8: {  	_ =	task [dreg:s4], $0x5FFFF  }
0xa9: {  	[dreg:$0x1] =	wrdreg $0xFFFFFFFF  }
0xaa: {  	[dreg:$0x0] =	wrdreg $0x60  }
0xab: {  	[dreg:$0x2] =	wrdreg s22  }
0xac: {  	[dreg:$0x3] =	wrdreg $0x9  }
0xad: {  	_ =	task.clear_ibuf [dreg:s4], $0x4FFFF;
	_ =	strace $0x90000046  }
0xae: {  	s26 =	simm.s32 $0x9;
	_ =	strace $0x80000048  }
0xaf: {  	_ =	swait.ge [sflag:s26], $0x1  }
0xb0: {  	[sflag:s26] =	ssyncadd.s32 $0xFFFFFFFF  }
0xb1: {  	_ =	strace $0x90000048  }
0xb2: {  	_ =	sfence  }
0xb3: {  	s28 =	sld [smem:$0x0];
	_ =	sdelay $0x1  }
0xb4: {  	s29 =	srdreg.scid  }
0xb5: {  	s30 =	sshll.u32 s29, $0xD;
	s31 =	sshrl.u32 s29, $0x2  }
0xb6: {  	s1 =	sand.u32 $0x1, s29;
	s2 =	sand.u32 $0x4000, s30;
	s0 =	sadd.s32 s31, s28  }
0xb7: {  	s1 =	sor.u32 s2, s1;
	s0 =	sshll.u32 s0, $0x11  }
0xb8: {  	s0 =	sor.u32 s0, s1  }
0xb9: {  	s0 =	sadd.s32 $0x8F2B, s0  }
0xba: {  	[sflag:s0] =	ssyncadd.remote.s32 $0x1  }
0xbb: {  	_ =	sfence.sel $0xFFFF  }
0xbc: {  	[dreg:$0x0] =	wrdreg $0xFFFFFFFF;
	(pc) =	sbr.abs _section_cstart, $3  }
0xbd: {  	[dreg:$0x1] =	wrdreg $0xFFFFFFFF  }
0xbe: {  	_ =	task.clear_ibuf [dreg:s4], $0x2FFFF;
	_ =	strace $0x9FFFFFFF  }
0xbf: {  	(tm) =	ssettm $0x7FFFFFFF  }
tec
execute0_lowered:
.L_overlay_start_1:
0x0: {  	(tag) =	ssettag $0x1  }
0x1: {  	s7 =	rddreg [dreg:$0x0]  }
0x2: {  	s0 =	rddreg [dreg:$0x1]  }
0x3: {  	_ =	strace $0x80000047;
	s3 =	stileid.u32;
	s4 =	simm.s32 $0x3E  }
0x4: {  	s1 =	sadd.s32 $0x16600, s7;
	p0 =	sne.s32 s3, $0x0;
	[sflag:s4] =	ssyncpa.u1 $0x0  }
0x5: {  	s30 =	smin.u32 s3, $0x4;
	s2 =	simm.s32 @!p0 $0x1C3E;
	s5 =	simm.s32 @!p0 $0x0  }
0x6: {  	[spmem:s5], [sflag:s2] =	dma.local @!p0 [hbm:s1], $0x500  }
0x7: {  	s2 =	sadd.s32 s3, s30  }
0x8: {  	p1 =	slt.u32 s3, $0x4;
	s3 =	simm.s32 $0x3E80;
	s2 =	smul.u32 $0x1F40, s2  }
0x9: {  	s3 =	simm.s32 @!p1 $0x1F40  }
0xa: {  	s3 =	sadd.s32 s3, s2  }
0xb: {  	s3 =	smin.u32 s3, $0x27100  }
0xc: {  	s8 =	ssub.s32 s3, s2  }
0xd: {  	p1 =	sgt.s32 s8, $0x0  }
0xe: {  	s8 =	simm.s32 @!p1 $0x0  }
0xf: {  	s5 =	simm.s32 @!p0 $0x3E;
	s31 =	smulhi.u32 $0x10624DD3, s8  }
0x10: {  	_ =	swait.ge @!p0 [sflag:s5], $0x500  }
0x11: {  	s6 =	simm.s32 $0x2;
	[sflag:s5] =	ssyncset.done @!p0 $0x0;
	s9 =	sshrl.u32 s31, $0x9  }
0x12: {  	s11 =	simm.s32 $0x0;
	[sflag:s5] =	ssyncadd.s32 @!p0 $0xFFFFFB00;
	s10 =	smul.u32 $0x1F40, s9  }
.Ltmp0:
0x13: {  	s5 =	sadd.s32 $0x600, s7;
	[bflag:$0x0] =	sbarrier.arrive $0xFFFF;
	(pc) =	sbr.rel .LBB2_1-.Ltmp0, $4  }
0x14: {  	s7 =	sadd.s32 $0x11600, s7;
	[sflag:s4] =	ssyncpa.u1 $0x1;
	s4 =	simm.s32 $0x1  }
0x15: {  	[sflag:s4] =	ssyncpa.u1 $0x0;
	p1 =	sne.s32 s8, s10;
	s8 =	simm.s32 $0x1  }
0x16: {  	(ifvalue) =	ssetifvalue $0x2800;
	[sflag:s6] =	ssyncpa.u1 $0x0;
	s8 =	simm.s32 @!p1 $0x0  }
0x17: {  	vm0 =	vmmov $0xffff;
	s10 =	smov.u32 s2;
	s8 =	sadd.s32 s8, s9;
	s9 =	simm.s32 $0x0  }
.LBB2_5:
0x18: {  	p2 =	sne.s32 s11, s8  }
.Ltmp1:
0x19: {  	_ = 	snop;
	(pc) =	sbr.rel @!p2 .LBB2_6-.Ltmp1, $4  }
0x1a: {  	_ = 	snop  }
0x1b: {  	s12 =	sadd.s32 $0x1F40, s10  }
0x1c: {  	s10 =	smov.u32 s2;
	s13 =	sadd.s32 $0x1, s11;
	p1 =	slt.s32 s12, s3  }
0x1d: {  	s11 =	smov.u32 s13;
	s10 =	smov.u32 @p1 s12  }
.LBB2_1:
0x1e: {  	p1 =	sge.u32 s11, s8  }
0x1f: {  	s12 =	sxor.u32 @!p1 $0xFFFFFFFF, s11  }
0x20: {  	s12 =	sand.u32 @!p1 $0x1, s12  }
0x21: {  	s12 =	smul.u32 @!p1 $0x1F40, s12  }
0x22: {  	s13 =	sshrl.u32 @!p1 s10, $0x3  }
0x23: {  	s16 =	sand.u32 @!p1 $0x7, s10;
	s14 =	sadd.s32 @!p1 s5, s13;
	s15 =	sadd.s32 @!p1 $0x280, s12  }
0x24: {  	[tilespmem:s15], [sflag:$0x2] =	stream.linear.gather @!p1 [hbm4b:s14+s16], $0x1F40, $0x38;
	[tilespmem:$0x7F80] =	vst v63  }
0x25: {  	s13 =	sadd.s32 @!p1 s7, s13;
	s12 =	sadd.s32 @!p1 $0x4100, s12  }
0x26: {  	[tilespmem:s12], [sflag:$0x2] =	stream.linear.gather @!p1 [hbm4b:s13+s16], $0x1F40, $0x38;
	[tilespmem:$0x7F80] =	vst v63  }
0x27: {  	p1 =	seq.s32 s11, $0x0  }
.Ltmp2:
0x28: {  	_ = 	snop;
	(pc) =	sbr.rel @p1 .LBB2_5-.Ltmp2, $1  }
0x29: {  	_ =	sdelay $0x3  }
0x2a: {  	s12 =	sand.u32 $0x1, s11  }
0x2b: {  	_ =	swait.ge [sflag:s6], $0x3E80;
	p1 =	seq.s32 s12, $0x1;
	s12 =	simm.s32 $0x1F40  }
0x2c: {  	[sflag:s6] =	ssyncset.done $0x0;
	s12 =	simm.s32 @!p1 $0x0  }
0x2d: {  	[sflag:s6] =	ssyncadd.s32 $0xFFFFC180;
	s14 =	sadd.s32 $0x280, s12  }
0x2e: {  	v0 =	vld.msk [tilespmem:s14+$0x0 ss:$0x1], $0xffff;
	_ =	sdelay $0x4  }
0x2f: {  	v0 =	vmin.u32 v0, $0x2800;
	_ =	sdelay $0x3  }
0x30: {  	s13 =	simm.s32 $0x0;
	s12 =	sadd.s32 $0x4100, s12;
	s14 =	sadd.s32 $0x10, s14  }
0x31: {  	[spmem:s9] =	stream.indirect_vreg.scatter.add.s32 [tilespmem:s12], [sflag:$0x1], $0x1, v0, vm0, $0x4038;
	[tilespmem:$0x7F80] =	vst v63  }
.LBB2_3:
0x32: {  	v0 =	vld.msk [tilespmem:s14+$0x0 ss:$0x1], $0xffff;
	s13 =	sadd.s32 $0x10, s13  }
0x33: {  	p1 =	slt.u32 s13, $0x1F30;
	_ =	sdelay $0x4  }
0x34: {  	v0 =	vmin.u32 v0, $0x2800  }
.Ltmp3:
0x35: {  	(pc) =	sbr.rel @p1 .LBB2_3-.Ltmp3, $3  }
0x36: {  	_ =	sdelay $0x1  }
0x37: {  	s14 =	sadd.s32 $0x10, s14;
	s12 =	sadd.s32 $0x10, s12  }
0x38: {  	[spmem:s9] =	stream.indirect_vreg.scatter.add.s32 [tilespmem:s12], [sflag:$0x1], $0x1, v0, vm0, $0x4038;
	[tilespmem:$0x7F80] =	vst v63  }
.Ltmp4:
0x39: {  	(pc) =	sbr.rel .LBB2_5-.Ltmp4, $4  }
0x3a: {  	_ = 	snop  }
0x3b: {  	_ =	swait.ge [sflag:s4], $0x1F40  }
0x3c: {  	[sflag:s4] =	ssyncset.done $0x0  }
0x3d: {  	[sflag:s4] =	ssyncadd.s32 $0xFFFFE0C0  }
.LBB2_6:
0x3e: {  	_ =	sfence.sel $0x180000  }
0x3f: {  	s2 =	simm.s32 $0x2;
	[bflag:$0x0] =	sbarrier.arrive $0xFFFF  }
0x40: {  	s30 =	simm.s32 $0x1;
	[sflag:s2] =	ssyncpa.u1 $0x1  }
0x41: {  	[sflag:s30] =	ssyncpa.u1 $0x1  }
0x42: {  	_ =	sfence.stream.spmem  }
0x43: {  	s31 =	simm.s32 $0x3D;
	[bflag:$0x0] =	sbarrier.arrive $0xFFFF  }
0x44: {  	s2 =	simm.s32 @p0 $0x3D;
	[sflag:s31] =	ssyncpa.u1 $0x0  }
0x45: {  	[sflag:s2] =	ssyncpa.u1 @p0 $0x1  }
0x46: {  	[bflag:$0x0] =	sbarrier.arrive @p0 $0xFFFF  }
0x47: {  	_ =	strace @p0 $0x90000047  }
0x48: {  	s3 =	simm.s32 @!p0 $0x1C3D;
	s2 =	simm.s32 @!p0 $0x0;
	[bflag:$0x2] =	sbarrier.arrive @p0 $0xFFFF  }
0x49: {  	[hbm:s1], [sflag:s3] =	dma.local @!p0 [spmem:s2], $0x500  }
0x4a: {  	s1 =	simm.s32 @!p0 $0x3D  }
0x4b: {  	_ =	swait.ge @!p0 [sflag:s1], $0x500  }
0x4c: {  	[sflag:s1] =	ssyncset.done @!p0 $0x0  }
0x4d: {  	[sflag:s1] =	ssyncadd.s32 @!p0 $0xFFFFFB00  }
0x4e: {  	[sflag:s1] =	ssyncpa.u1 @!p0 $0x1  }
0x4f: {  	[bflag:$0x0] =	sbarrier.arrive @!p0 $0xFFFF  }
0x50: {  	_ =	strace @!p0 $0x90000047  }
0x51: {  	s0 =	sadd.s32 @!p0 $0x100000, s0;
	[bflag:$0x2] =	sbarrier.arrive @!p0 $0xFFFF  }
0x52: {  	[sflag:s0] =	ssyncadd.tile.s32 @!p0 $0x1;
	_ =	shalt  }
.Lfunc_end2:
_tile_overlayer_lowered:
.L_overlay_start_2:
0x53: {  	(tag) =	ssettag $0x2  }
0x54: {  	s0 =	rddreg [dreg:$0x0];
	s2 =	stileid.u32  }
0x55: {  	s1 =	rddreg [dreg:$0x1];
	p0 =	sne.s32 s2, $0x0  }
0x56: {  	s3 =	rddreg [dreg:$0x2];
	[bflag:$0x3] =	sbarrier.arrive $0xFFFF;
	s2 =	simm.s32 @!p0 $0x1C01  }
0x57: {  	[timem:s3], [sflag:s2] =	dma.local @!p0 [hbm:s0], s1  }
0x58: {  	s0 =	simm.s32 @!p0 $0x1  }
0x59: {  	_ =	swait.ge @!p0 [sflag:s0], s1  }
0x5a: {  	s1 =	ssub.s32 @!p0 $0x0, s1;
	[sflag:s0] =	ssyncset.done @!p0 $0x0  }
0x5b: {  	[sflag:s0] =	ssyncadd.s32 @!p0 s1  }
0x5c: {  	[bflag:$0x3] =	sbarrier.arrive $0xFFFF  }
0x5d: {  	_ =	shalt  }

</sc_bundles>
